<compile_context>
chip_gen: v7x
topology: tpu7x:2x2x1
jax: 0.10.2.dev20260603
libtpu: 0.0.44.dev20260713+nightly
codegen_flags: <defaults>
</compile_context>

<pallas_src>
import functools

import jax
import jax.numpy as jnp
from jax import lax
from jax.experimental import pallas as pl
from jax.experimental.pallas import tpu as pltpu
from jax.experimental.pallas import tpu_sc as plsc

N = 10000
E = 320000
F = 128
NC = 2
NS = 16
NW = NC * NS
EPW = E // NW
C = 80
NCHUNK = EPW // C
NPAD = 10240
RPT = NPAD // NS
HW = 16

_mesh = plsc.VectorSubcoreMesh(core_axis_name="c", subcore_axis_name="s")


GR = NPAD // 16
HSZ = GR * 128


@functools.partial(
    pl.kernel,
    out_type=jax.ShapeDtypeStruct((NW * HSZ,), jnp.float32),
    mesh=_mesh,
    scratch_types=[
        pltpu.VMEM((EPW,), jnp.int32),
        pltpu.VMEM((HSZ,), jnp.float32),
    ],
    compiler_params=pltpu.CompilerParams(needs_layout_passes=False),
)
def _sc_degree(row_hbm, out_hbm, idxs_v, hist_v):
    c = lax.axis_index("c")
    s = lax.axis_index("s")
    w = c * NS + s
    iota = lax.iota(jnp.int32, 16)
    zeros16 = jnp.zeros((16,), jnp.float32)
    ones16 = jnp.full((16,), 1.0, jnp.float32)

    @pl.loop(0, HSZ // 16)
    def _(i):
        hist_v[pl.ds(i * 16, 16)] = zeros16

    pltpu.sync_copy(row_hbm.at[pl.ds(w * EPW, EPW)], idxs_v)
    lane8 = iota & 7
    m_lo = iota < 8
    m_hi = iota >= 8

    @pl.loop(0, EPW // 16)
    def _(i):
        nid = idxs_v[pl.ds(i * 16, 16)]
        flat = nid * 8 + lane8
        plsc.addupdate_scatter(hist_v, [flat], ones16, mask=m_lo)
        plsc.addupdate_scatter(hist_v, [flat], ones16, mask=m_hi)

    pltpu.sync_copy(hist_v, out_hbm.at[pl.ds(w * HSZ, HSZ)])


NB = 3
NCH = 90
CE = 112
EPWP = NCH * CE
EP = NW * EPWP
ZR = 80


@functools.partial(
    pl.kernel,
    out_type=jax.ShapeDtypeStruct((NC, NPAD, F), jnp.float32),
    mesh=_mesh,
    scratch_types=[
        pltpu.VMEM((CE,), jnp.int32),
        pltpu.VMEM((CE,), jnp.int32),
        pltpu.VMEM((CE,), jnp.int32),
        pltpu.VMEM((CE,), jnp.int32),
        pltpu.VMEM((CE,), jnp.int32),
        pltpu.VMEM((CE,), jnp.int32),
        pltpu.VMEM((CE, F), jnp.float32),
        pltpu.VMEM((CE, F), jnp.float32),
        pltpu.VMEM((CE, F), jnp.float32),
        pltpu.VMEM_SHARED((NPAD, F), jnp.float32),
        pltpu.SemaphoreType.DMA,
        pltpu.SemaphoreType.DMA,
        pltpu.SemaphoreType.DMA,
        pltpu.SemaphoreType.DMA,
        pltpu.SemaphoreType.DMA,
        pltpu.SemaphoreType.DMA,
        pltpu.SemaphoreType.DMA,
        pltpu.SemaphoreType.DMA,
        pltpu.SemaphoreType.DMA,
    ],
)
def _sc_aggregate(z_hbm, row_hbm, col_hbm, out_hbm,
                  cidx0, cidx1, cidx2, ridx0, ridx1, ridx2,
                  rows0, rows1, rows2, acc_sh,
                  gsem0, gsem1, gsem2, ssem0, ssem1, ssem2,
                  isem0, isem1, isem2):
    c = lax.axis_index("c")
    s = lax.axis_index("s")
    w = c * NS + s
    base = w * EPWP
    zeros16 = jnp.zeros((16,), jnp.float32)
    cidx = (cidx0, cidx1, cidx2)
    ridx = (ridx0, ridx1, ridx2)
    rows = (rows0, rows1, rows2)
    gsem = (gsem0, gsem1, gsem2)
    ssem = (ssem0, ssem1, ssem2)
    isem = (isem0, isem1, isem2)

    def istage(j, b):
        pltpu.async_copy(col_hbm.at[pl.ds(base + j * CE, CE)], cidx[b],
                         isem[b])
        pltpu.async_copy(row_hbm.at[pl.ds(base + j * CE, CE)], ridx[b],
                         isem[b])

    def istage_wait(b):
        pltpu.make_async_copy(col_hbm.at[pl.ds(base, CE)], cidx[b],
                              isem[b]).wait()
        pltpu.make_async_copy(row_hbm.at[pl.ds(base, CE)], ridx[b],
                              isem[b]).wait()

    def gather(b):
        pltpu.async_copy(z_hbm.at[cidx[b]], rows[b], gsem[b])

    def gather_wait(b):
        pltpu.make_async_copy(z_hbm.at[cidx[b]], rows[b], gsem[b]).wait()

    def scat(b):
        pltpu.async_copy(rows[b], acc_sh.at[ridx[b]], ssem[b], add=True)

    def scat_wait(b):
        pltpu.make_async_copy(rows[b], acc_sh.at[ridx[b]], ssem[b]).wait()

    @pl.loop(0, ZR)
    def _(i):
        @pl.loop(0, F // 16)
        def _(j):
            rows0[i, pl.ds(j * 16, 16)] = zeros16

    @pl.loop(0, RPT // ZR)
    def _(j):
        pltpu.sync_copy(rows0.at[pl.ds(0, ZR)],
                        acc_sh.at[pl.ds(s * RPT + j * ZR, ZR)])

    for b in range(NB):
        istage(b, b)
    for b in range(NB):
        istage_wait(b)
        gather(b)

    plsc.subcore_barrier()

    @pl.loop(0, NCH - NB, step=NB)
    def _(j):
        for b in range(NB):
            gather_wait(b)
            scat(b)
        for b in range(NB):
            scat_wait(b)
            istage(j + NB + b, b)
        for b in range(NB):
            istage_wait(b)
            gather(b)

    for b in range(NB):
        gather_wait(b)
        scat(b)
    for b in range(NB):
        scat_wait(b)

    plsc.subcore_barrier()

    @pl.loop(0, RPT // ZR)
    def _(j):
        pltpu.sync_copy(acc_sh.at[pl.ds(s * RPT + j * ZR, ZR)],
                        rows0.at[pl.ds(0, ZR)])
        pltpu.sync_copy(rows0.at[pl.ds(0, ZR)],
                        out_hbm.at[c, pl.ds(s * RPT + j * ZR, ZR)])


def _mm_body(x_ref, w_ref, o_ref):
    o_ref[...] = jnp.dot(x_ref[...], w_ref[...],
                         preferred_element_type=jnp.float32)


def _tc_matmul(x, weight):
    return pl.pallas_call(
        _mm_body,
        out_shape=jax.ShapeDtypeStruct((N, F), jnp.float32),
    )(x, weight)


def _deg_from_hist(h_ref):
    sums = jnp.sum(h_ref[...], axis=0)
    j = lax.broadcasted_iota(jnp.int32, (128, 16), 0)
    m = lax.broadcasted_iota(jnp.int32, (128, 16), 1)
    sel = (j // 8 == m).astype(jnp.float32)
    deg = jnp.dot(sums, sel, preferred_element_type=jnp.float32) + 2.0
    return deg[0 : N // 16, :]


def _mm_scale_body(x_ref, w_ref, h_ref, xw_ref, z_ref):
    xw = jnp.dot(x_ref[...], w_ref[...], preferred_element_type=jnp.float32)
    xw_ref[...] = xw
    dinv = lax.rsqrt(_deg_from_hist(h_ref))
    xw3 = xw.reshape(N // 16, 16, F)
    z_ref[...] = (xw3 * dinv[:, :, None]).reshape(N, F)


def _tc_mm_scale(x, weight, hist):
    return pl.pallas_call(
        _mm_scale_body,
        out_shape=(jax.ShapeDtypeStruct((N, F), jnp.float32),
                   jax.ShapeDtypeStruct((N, F), jnp.float32)),
    )(x, weight, hist)


def _final_body(xw_ref, h_ref, p_ref, o_ref):
    deg = _deg_from_hist(h_ref)
    dinv = lax.rsqrt(deg)
    agg = (p_ref[0, 0:N, :] + p_ref[1, 0:N, :]).reshape(N // 16, 16, F)
    xw3 = xw_ref[...].reshape(N // 16, 16, F)
    out = dinv[:, :, None] * agg + (2.0 / deg)[:, :, None] * xw3
    o_ref[...] = jnp.maximum(out, 0.0).reshape(N, F)


def _tc_final(xw, hist, parts):
    return pl.pallas_call(
        _final_body,
        out_shape=jax.ShapeDtypeStruct((N, F), jnp.float32),
    )(xw, hist, parts)


def kernel(x, edge_index, weight):
    row = edge_index[0].astype(jnp.int32)
    col = edge_index[1].astype(jnp.int32)
    npadding = EP - E
    row_p = jnp.concatenate(
        [row, N + jnp.arange(npadding, dtype=jnp.int32) % (NPAD - N)])
    col_p = jnp.concatenate(
        [col, (jnp.arange(npadding, dtype=jnp.int32) * 521) % N])
    hist = _sc_degree(row).reshape(NW, GR, 128)
    xw, z = _tc_mm_scale(x, weight, hist)
    parts = _sc_aggregate(z, row_p, col_p)
    return _tc_final(xw, hist, parts)

# --- scband reference (transcript-rebuilt; emitter-appended) ---
"""Pipeline reference for scband-vgrnn-32847909880000 (READ-ONLY COPY).

The authoritative reference and input builder live on the scoring server;
editing this copy changes nothing except your own understanding.
"""

import jax, jax.numpy as jnp
import numpy as np
import math

N_NODES = 10000
N_EDGES = 320000
IN_CH = 128
OUT_CH = 128


def setup_inputs(seed: int = 0) -> dict:
    key = jax.random.key(seed)
    k1, k2, k3 = jax.random.split(key, 3)
    x = jax.random.normal(k1, (N_NODES, IN_CH), dtype=jnp.float32)
    edge_index = jax.random.randint(k2, (2, N_EDGES), 0, N_NODES, dtype=jnp.int64)
    # glorot uniform init for GCNConv weight, per reset_parameters()
    stdv = math.sqrt(6.0 / (IN_CH + OUT_CH))
    weight = jax.random.uniform(k3, (IN_CH, OUT_CH), dtype=jnp.float32, minval=-stdv, maxval=stdv)
    return {"x": x, "edge_index": edge_index, "weight": weight}


def reference(x, edge_index, weight):
    # Faithful port of GCNConv.forward (improved=True, bias=False, act=relu)
    N = x.shape[0]
    E = edge_index.shape[1]
    edge_weight = jnp.ones((E,), dtype=x.dtype)
    # add self loops
    loop = jnp.arange(N, dtype=edge_index.dtype)
    ei = jnp.concatenate([edge_index, jnp.stack([loop, loop], axis=0)], axis=1)
    loop_weight = jnp.full((N,), 2.0, dtype=x.dtype)  # improved=True -> 2
    ew = jnp.concatenate([edge_weight, loop_weight], axis=0)
    row = ei[0]
    col = ei[1]
    deg = jax.ops.segment_sum(ew, row, num_segments=N)
    deg_inv = jnp.power(deg, -0.5)
    deg_inv = jnp.where(jnp.isinf(deg_inv), 0.0, deg_inv)
    norm = deg_inv[row] * ew * deg_inv[col]
    xw = jnp.matmul(x, weight)
    # message: norm.view(-1,1) * x_j  where x_j = x[edge_index[1]]
    msg = norm[:, None] * jnp.take(xw, col, axis=0)
    # scatter_add on edge_index[0]
    out = jax.ops.segment_sum(msg, row, num_segments=N)
    return jax.nn.relu(out)

if __name__ == "__main__":
    import jax
    _d = setup_inputs()
    print(jax.jit(kernel)(*tuple(_d.values())))

</pallas_src>

<mosaic_0001>
#map = affine_map<(d0, d1) -> (0)>
module attributes {stable_mosaic.version = 14 : i64} {
  func.func @_sc_degree(%arg0: i32, %arg1: i32, %arg2: memref<320000xi32, #tpu.memory_space<hbm>>, %arg3: memref<2621440xf32, #tpu.memory_space<hbm>>, %arg4: memref<10000xi32, #tpu.memory_space<vmem>>, %arg5: memref<81920xf32, #tpu.memory_space<vmem>>) attributes {dimension_semantics = [#tpu.dimension_semantics<core_parallel>, #tpu.dimension_semantics<subcore_parallel>], iteration_bounds = array<i64: 2, 16>, scalar_prefetch = 0 : i64, scratch_operands = 2 : i64, tpu.core_type = #tpu.core_type<sc_vector_subcore>, window_params = [{transform_indices = #map}, {transform_indices = #map}]} {
    %mul3A = arith.constant 16 : i32
    %mul3A_0 = arith.muli %arg0, %mul3A : i32
    %add3A = arith.addi %mul3A_0, %arg1 : i32
    %iota3A = tpu.iota {dimensions = array<i32: 0>} : vector<16xi32>
    %broadcast_in_dim3A = arith.constant 0.000000e+00 : f32
    %broadcast_in_dim3A_1 = vector.broadcast %broadcast_in_dim3A : f32 to vector<16xf32>
    %broadcast_in_dim3A_2 = arith.constant 1.000000e+00 : f32
    %broadcast_in_dim3A_3 = vector.broadcast %broadcast_in_dim3A_2 : f32 to vector<16xf32>
    %scan3A = arith.constant 0 : i32
    %scan3A_4 = arith.constant 5120 : i32
    %scan3A_5 = arith.addi %scan3A, %scan3A_4 : i32
    %scan3A_6 = arith.constant 1 : i32
    scf.for %scan3A_23 = %scan3A to %scan3A_5 step %scan3A_6  : i32 {
      %mul3A_24 = arith.constant 1 : i32
      %mul3A_25 = arith.muli %scan3A_23, %mul3A_24 : i32
      %add3A_26 = arith.constant 0 : i32
      %add3A_27 = arith.addi %add3A_26, %mul3A_25 : i32
      %mul3A_28 = arith.constant 16 : i32
      %mul3A_29 = arith.muli %add3A_27, %mul3A_28 : i32
      %swap3A = arith.index_cast %mul3A_29 : i32 to index
      %swap3A_30 = tpu.vector_load %arg5[%swap3A] {strides = array<i32>} : memref<81920xf32, #tpu.memory_space<vmem>>, vector<16xf32>,
      tpu.vector_store %arg5[%swap3A], %broadcast_in_dim3A_1 {strides = array<i32>} : memref<81920xf32, #tpu.memory_space<vmem>>, vector<16xf32>,
    }
    %scan3A_7 = arith.constant 5120 : i32
    %mul3A_8 = arith.constant 10000 : i32
    %mul3A_9 = arith.muli %add3A, %mul3A_8 : i32
    "tpu.region"() ({
      %run_scoped3A = tpu.sem_alloc : memref<!tpu.dma_semaphore, #tpu.memory_space<semaphore_mem>>
      %dma_start3A = tpu.memref_slice %arg2[%mul3A_9] : memref<320000xi32, #tpu.memory_space<hbm>> -> memref<10000xi32, #tpu.memory_space<hbm>>
      %dma_start3A_23 = tpu.memref_slice %arg2[%mul3A_9] : memref<320000xi32, #tpu.memory_space<hbm>> -> memref<10000xi32, #tpu.memory_space<hbm>>
      tpu.enqueue_dma source(%dma_start3A_23 : memref<10000xi32, #tpu.memory_space<hbm>>) target(%arg4 : memref<10000xi32, #tpu.memory_space<vmem>>) target_semaphore(%run_scoped3A : memref<!tpu.dma_semaphore, #tpu.memory_space<semaphore_mem>>)
      %dma_wait3A = tpu.memref_slice %arg2[%mul3A_9] : memref<320000xi32, #tpu.memory_space<hbm>> -> memref<10000xi32, #tpu.memory_space<hbm>>
      %dma_wait3A_24 = tpu.memref_slice %arg2[%mul3A_9] : memref<320000xi32, #tpu.memory_space<hbm>> -> memref<10000xi32, #tpu.memory_space<hbm>>
      tpu.wait_dma2 semaphore(%run_scoped3A : memref<!tpu.dma_semaphore, #tpu.memory_space<semaphore_mem>>) src(%dma_wait3A_24 : memref<10000xi32, #tpu.memory_space<hbm>>) dst(%arg4 : memref<10000xi32, #tpu.memory_space<vmem>>)
      tpu.yield
    }) : () -> ()
    %and3A = arith.constant 7 : i32
    %and3A_10 = vector.broadcast %and3A : i32 to vector<16xi32>
    %and3A_11 = arith.andi %iota3A, %and3A_10 : vector<16xi32>
    %lt3A = arith.constant 8 : i32
    %lt3A_12 = vector.broadcast %lt3A : i32 to vector<16xi32>
    %lt3A_13 = arith.cmpi slt, %iota3A, %lt3A_12 : vector<16xi32>
    %ge3A = arith.constant 8 : i32
    %ge3A_14 = vector.broadcast %ge3A : i32 to vector<16xi32>
    %ge3A_15 = arith.cmpi sge, %iota3A, %ge3A_14 : vector<16xi32>
    %scan3A_16 = arith.constant 0 : i32
    %scan3A_17 = arith.constant 625 : i32
    %scan3A_18 = arith.addi %scan3A_16, %scan3A_17 : i32
    %scan3A_19 = arith.constant 1 : i32
    scf.for %scan3A_23 = %scan3A_16 to %scan3A_18 step %scan3A_19  : i32 {
      %mul3A_24 = arith.constant 1 : i32
      %mul3A_25 = arith.muli %scan3A_23, %mul3A_24 : i32
      %add3A_26 = arith.constant 0 : i32
      %add3A_27 = arith.addi %add3A_26, %mul3A_25 : i32
      %mul3A_28 = arith.constant 16 : i32
      %mul3A_29 = arith.muli %add3A_27, %mul3A_28 : i32
      %get3A = arith.index_cast %mul3A_29 : i32 to index
      %get3A_30 = tpu.vector_load %arg4[%get3A] {strides = array<i32>} : memref<10000xi32, #tpu.memory_space<vmem>>, vector<16xi32>,
      %mul3A_31 = arith.constant 8 : i32
      %mul3A_32 = vector.broadcast %mul3A_31 : i32 to vector<16xi32>
      %mul3A_33 = arith.muli %get3A_30, %mul3A_32 : vector<16xi32>
      %add3A_34 = arith.addi %mul3A_33, %and3A_11 : vector<16xi32>
      tpu.vector_store_idx %arg5[%add3A_34], %broadcast_in_dim3A_3 masked %lt3A_13 {add = true} : memref<81920xf32, #tpu.memory_space<vmem>>[vector<16xi32>], vector<16xf32>, vector<16xi1>
      tpu.vector_store_idx %arg5[%add3A_34], %broadcast_in_dim3A_3 masked %ge3A_15 {add = true} : memref<81920xf32, #tpu.memory_space<vmem>>[vector<16xi32>], vector<16xf32>, vector<16xi1>
    }
    %scan3A_20 = arith.constant 625 : i32
    %mul3A_21 = arith.constant 81920 : i32
    %mul3A_22 = arith.muli %add3A, %mul3A_21 : i32
    "tpu.region"() ({
      %run_scoped3A = tpu.sem_alloc : memref<!tpu.dma_semaphore, #tpu.memory_space<semaphore_mem>>
      %dma_start3A = tpu.memref_slice %arg3[%mul3A_22] : memref<2621440xf32, #tpu.memory_space<hbm>> -> memref<81920xf32, #tpu.memory_space<hbm>>
      %dma_start3A_23 = tpu.memref_slice %arg3[%mul3A_22] : memref<2621440xf32, #tpu.memory_space<hbm>> -> memref<81920xf32, #tpu.memory_space<hbm>>
      tpu.enqueue_dma source(%arg5 : memref<81920xf32, #tpu.memory_space<vmem>>) target(%dma_start3A_23 : memref<81920xf32, #tpu.memory_space<hbm>>) target_semaphore(%run_scoped3A : memref<!tpu.dma_semaphore, #tpu.memory_space<semaphore_mem>>)
      %dma_wait3A = tpu.memref_slice %arg3[%mul3A_22] : memref<2621440xf32, #tpu.memory_space<hbm>> -> memref<81920xf32, #tpu.memory_space<hbm>>
      %dma_wait3A_24 = tpu.memref_slice %arg3[%mul3A_22] : memref<2621440xf32, #tpu.memory_space<hbm>> -> memref<81920xf32, #tpu.memory_space<hbm>>
      tpu.wait_dma2 semaphore(%run_scoped3A : memref<!tpu.dma_semaphore, #tpu.memory_space<semaphore_mem>>) src(%arg5 : memref<81920xf32, #tpu.memory_space<vmem>>) dst(%dma_wait3A_24 : memref<81920xf32, #tpu.memory_space<hbm>>)
      tpu.yield
    }) : () -> ()
    return
  }
}

#map = affine_map<(d0, d1) -> (0, 0)>
#map1 = affine_map<(d0, d1) -> (0)>
#map2 = affine_map<(d0, d1) -> (0, 0, 0)>
module attributes {stable_mosaic.version = 14 : i64} {
  func.func @_sc_aggregate(%arg0: i32, %arg1: i32, %arg2: memref<10000x128xf32, #tpu.memory_space<hbm>>, %arg3: memref<322560xi32, #tpu.memory_space<hbm>>, %arg4: memref<322560xi32, #tpu.memory_space<hbm>>, %arg5: memref<2x10240x128xf32, #tpu.memory_space<hbm>>, %arg6: memref<112xi32, #tpu.memory_space<vmem>>, %arg7: memref<112xi32, #tpu.memory_space<vmem>>, %arg8: memref<112xi32, #tpu.memory_space<vmem>>, %arg9: memref<112xi32, #tpu.memory_space<vmem>>, %arg10: memref<112xi32, #tpu.memory_space<vmem>>, %arg11: memref<112xi32, #tpu.memory_space<vmem>>, %arg12: memref<112x128xf32, #tpu.memory_space<vmem>>, %arg13: memref<112x128xf32, #tpu.memory_space<vmem>>, %arg14: memref<112x128xf32, #tpu.memory_space<vmem>>, %arg15: memref<10240x128xf32, #tpu.memory_space<vmem_shared>>, %arg16: memref<!tpu.dma_semaphore, #tpu.memory_space<semaphore_mem>>, %arg17: memref<!tpu.dma_semaphore, #tpu.memory_space<semaphore_mem>>, %arg18: memref<!tpu.dma_semaphore, #tpu.memory_space<semaphore_mem>>, %arg19: memref<!tpu.dma_semaphore, #tpu.memory_space<semaphore_mem>>, %arg20: memref<!tpu.dma_semaphore, #tpu.memory_space<semaphore_mem>>, %arg21: memref<!tpu.dma_semaphore, #tpu.memory_space<semaphore_mem>>, %arg22: memref<!tpu.dma_semaphore, #tpu.memory_space<semaphore_mem>>, %arg23: memref<!tpu.dma_semaphore, #tpu.memory_space<semaphore_mem>>, %arg24: memref<!tpu.dma_semaphore, #tpu.memory_space<semaphore_mem>>) attributes {dimension_semantics = [#tpu.dimension_semantics<core_parallel>, #tpu.dimension_semantics<subcore_parallel>], iteration_bounds = array<i64: 2, 16>, scalar_prefetch = 0 : i64, scratch_operands = 19 : i64, tpu.core_type = #tpu.core_type<sc_vector_subcore>, window_params = [{transform_indices = #map}, {transform_indices = #map1}, {transform_indices = #map1}, {transform_indices = #map2}]} {
    %mul3A = arith.constant 16 : i32
    %mul3A_0 = arith.muli %arg0, %mul3A : i32
    %add3A = arith.addi %mul3A_0, %arg1 : i32
    %mul3A_1 = arith.constant 10080 : i32
    %mul3A_2 = arith.muli %add3A, %mul3A_1 : i32
    %broadcast_in_dim3A = arith.constant 0.000000e+00 : f32
    %broadcast_in_dim3A_3 = vector.broadcast %broadcast_in_dim3A : f32 to vector<16xf32>
    %scan3A = arith.constant 0 : i32
    %scan3A_4 = arith.constant 80 : i32
    %scan3A_5 = arith.addi %scan3A, %scan3A_4 : i32
    %scan3A_6 = arith.constant 1 : i32
    scf.for %scan3A_94 = %scan3A to %scan3A_5 step %scan3A_6  : i32 {
      %mul3A_95 = arith.constant 1 : i32
      %mul3A_96 = arith.muli %scan3A_94, %mul3A_95 : i32
      %add3A_97 = arith.constant 0 : i32
      %add3A_98 = arith.addi %add3A_97, %mul3A_96 : i32
      %scan3A_99 = arith.constant 0 : i32
      %scan3A_100 = arith.constant 8 : i32
      %scan3A_101 = arith.addi %scan3A_99, %scan3A_100 : i32
      %scan3A_102 = arith.constant 1 : i32
      scf.for %scan3A_104 = %scan3A_99 to %scan3A_101 step %scan3A_102  : i32 {
        %mul3A_105 = arith.constant 1 : i32
        %mul3A_106 = arith.muli %scan3A_104, %mul3A_105 : i32
        %add3A_107 = arith.constant 0 : i32
        %add3A_108 = arith.addi %add3A_107, %mul3A_106 : i32
        %mul3A_109 = arith.constant 16 : i32
        %mul3A_110 = arith.muli %add3A_108, %mul3A_109 : i32
        %swap3A = arith.index_cast %add3A_98 : i32 to index
        %swap3A_111 = arith.index_cast %mul3A_110 : i32 to index
        %swap3A_112 = tpu.vector_load %arg12[%swap3A, %swap3A_111] {strides = array<i32>} : memref<112x128xf32, #tpu.memory_space<vmem>>, vector<1x16xf32>,
        %swap3A_113 = vector.shape_cast %swap3A_112 : vector<1x16xf32> to vector<16xf32>
        %swap3A_114 = vector.shape_cast %broadcast_in_dim3A_3 : vector<16xf32> to vector<1x16xf32>
        tpu.vector_store %arg12[%swap3A, %swap3A_111], %swap3A_114 {strides = array<i32>} : memref<112x128xf32, #tpu.memory_space<vmem>>, vector<1x16xf32>,
      }
      %scan3A_103 = arith.constant 8 : i32
    }
    %scan3A_7 = arith.constant 80 : i32
    %scan3A_8 = arith.constant 0 : i32
    %scan3A_9 = arith.constant 8 : i32
    %scan3A_10 = arith.addi %scan3A_8, %scan3A_9 : i32
    %scan3A_11 = arith.constant 1 : i32
    scf.for %scan3A_94 = %scan3A_8 to %scan3A_10 step %scan3A_11  : i32 {
      %mul3A_95 = arith.constant 1 : i32
      %mul3A_96 = arith.muli %scan3A_94, %mul3A_95 : i32
      %add3A_97 = arith.constant 0 : i32
      %add3A_98 = arith.addi %add3A_97, %mul3A_96 : i32
      %mul3A_99 = arith.constant 640 : i32
      %mul3A_100 = arith.muli %arg1, %mul3A_99 : i32
      %mul3A_101 = arith.constant 80 : i32
      %mul3A_102 = arith.muli %add3A_98, %mul3A_101 : i32
      %add3A_103 = arith.addi %mul3A_100, %mul3A_102 : i32
      "tpu.region"() ({
        %run_scoped3A = tpu.sem_alloc : memref<!tpu.dma_semaphore, #tpu.memory_space<semaphore_mem>>
        %dma_start3A_104 = arith.constant 0 : i32
        %dma_start3A_105 = arith.constant 0 : i32
        %dma_start3A_106 = tpu.memref_slice %arg12[%dma_start3A_104, %dma_start3A_105] : memref<112x128xf32, #tpu.memory_space<vmem>> -> memref<80x128xf32, #tpu.memory_space<vmem>>
        %dma_start3A_107 = arith.constant 0 : i32
        %dma_start3A_108 = tpu.memref_slice %arg15[%add3A_103, %dma_start3A_107] : memref<10240x128xf32, #tpu.memory_space<vmem_shared>> -> memref<80x128xf32, #tpu.memory_space<vmem_shared>>
        %dma_start3A_109 = arith.constant 0 : i32
        %dma_start3A_110 = tpu.memref_slice %arg15[%add3A_103, %dma_start3A_109] : memref<10240x128xf32, #tpu.memory_space<vmem_shared>> -> memref<80x128xf32, #tpu.memory_space<vmem_shared>>
        %dma_start3A_111 = arith.constant 0 : i32
        %dma_start3A_112 = arith.constant 0 : i32
        %dma_start3A_113 = tpu.memref_slice %arg12[%dma_start3A_111, %dma_start3A_112] : memref<112x128xf32, #tpu.memory_space<vmem>> -> memref<80x128xf32, #tpu.memory_space<vmem>>
        tpu.enqueue_dma source(%dma_start3A_113 : memref<80x128xf32, #tpu.memory_space<vmem>>) target(%dma_start3A_110 : memref<80x128xf32, #tpu.memory_space<vmem_shared>>) target_semaphore(%run_scoped3A : memref<!tpu.dma_semaphore, #tpu.memory_space<semaphore_mem>>)
        %dma_wait3A_114 = arith.constant 0 : i32
        %dma_wait3A_115 = arith.constant 0 : i32
        %dma_wait3A_116 = tpu.memref_slice %arg12[%dma_wait3A_114, %dma_wait3A_115] : memref<112x128xf32, #tpu.memory_space<vmem>> -> memref<80x128xf32, #tpu.memory_space<vmem>>
        %dma_wait3A_117 = arith.constant 0 : i32
        %dma_wait3A_118 = tpu.memref_slice %arg15[%add3A_103, %dma_wait3A_117] : memref<10240x128xf32, #tpu.memory_space<vmem_shared>> -> memref<80x128xf32, #tpu.memory_space<vmem_shared>>
        %dma_wait3A_119 = arith.constant 0 : i32
        %dma_wait3A_120 = tpu.memref_slice %arg15[%add3A_103, %dma_wait3A_119] : memref<10240x128xf32, #tpu.memory_space<vmem_shared>> -> memref<80x128xf32, #tpu.memory_space<vmem_shared>>
        %dma_wait3A_121 = arith.constant 0 : i32
        %dma_wait3A_122 = arith.constant 0 : i32
        %dma_wait3A_123 = tpu.memref_slice %arg12[%dma_wait3A_121, %dma_wait3A_122] : memref<112x128xf32, #tpu.memory_space<vmem>> -> memref<80x128xf32, #tpu.memory_space<vmem>>
        tpu.wait_dma2 semaphore(%run_scoped3A : memref<!tpu.dma_semaphore, #tpu.memory_space<semaphore_mem>>) src(%dma_wait3A_123 : memref<80x128xf32, #tpu.memory_space<vmem>>) dst(%dma_wait3A_120 : memref<80x128xf32, #tpu.memory_space<vmem_shared>>)
        tpu.yield
      }) : () -> ()
    }
    %scan3A_12 = arith.constant 8 : i32
    %add3A_13 = arith.constant 0 : i32
    %add3A_14 = arith.addi %mul3A_2, %add3A_13 : i32
    %dma_start3A = tpu.memref_slice %arg4[%add3A_14] : memref<322560xi32, #tpu.memory_space<hbm>> -> memref<112xi32, #tpu.memory_space<hbm>>
    %dma_start3A_15 = tpu.memref_slice %arg4[%add3A_14] : memref<322560xi32, #tpu.memory_space<hbm>> -> memref<112xi32, #tpu.memory_space<hbm>>
    tpu.enqueue_dma source(%dma_start3A_15 : memref<112xi32, #tpu.memory_space<hbm>>) target(%arg6 : memref<112xi32, #tpu.memory_space<vmem>>) target_semaphore(%arg22 : memref<!tpu.dma_semaphore, #tpu.memory_space<semaphore_mem>>)
    %add3A_16 = arith.constant 0 : i32
    %add3A_17 = arith.addi %mul3A_2, %add3A_16 : i32
    %dma_start3A_18 = tpu.memref_slice %arg3[%add3A_17] : memref<322560xi32, #tpu.memory_space<hbm>> -> memref<112xi32, #tpu.memory_space<hbm>>
    %dma_start3A_19 = tpu.memref_slice %arg3[%add3A_17] : memref<322560xi32, #tpu.memory_space<hbm>> -> memref<112xi32, #tpu.memory_space<hbm>>
    tpu.enqueue_dma source(%dma_start3A_19 : memref<112xi32, #tpu.memory_space<hbm>>) target(%arg9 : memref<112xi32, #tpu.memory_space<vmem>>) target_semaphore(%arg22 : memref<!tpu.dma_semaphore, #tpu.memory_space<semaphore_mem>>)
    %add3A_20 = arith.constant 112 : i32
    %add3A_21 = arith.addi %mul3A_2, %add3A_20 : i32
    %dma_start3A_22 = tpu.memref_slice %arg4[%add3A_21] : memref<322560xi32, #tpu.memory_space<hbm>> -> memref<112xi32, #tpu.memory_space<hbm>>
    %dma_start3A_23 = tpu.memref_slice %arg4[%add3A_21] : memref<322560xi32, #tpu.memory_space<hbm>> -> memref<112xi32, #tpu.memory_space<hbm>>
    tpu.enqueue_dma source(%dma_start3A_23 : memref<112xi32, #tpu.memory_space<hbm>>) target(%arg7 : memref<112xi32, #tpu.memory_space<vmem>>) target_semaphore(%arg23 : memref<!tpu.dma_semaphore, #tpu.memory_space<semaphore_mem>>)
    %add3A_24 = arith.constant 112 : i32
    %add3A_25 = arith.addi %mul3A_2, %add3A_24 : i32
    %dma_start3A_26 = tpu.memref_slice %arg3[%add3A_25] : memref<322560xi32, #tpu.memory_space<hbm>> -> memref<112xi32, #tpu.memory_space<hbm>>
    %dma_start3A_27 = tpu.memref_slice %arg3[%add3A_25] : memref<322560xi32, #tpu.memory_space<hbm>> -> memref<112xi32, #tpu.memory_space<hbm>>
    tpu.enqueue_dma source(%dma_start3A_27 : memref<112xi32, #tpu.memory_space<hbm>>) target(%arg10 : memref<112xi32, #tpu.memory_space<vmem>>) target_semaphore(%arg23 : memref<!tpu.dma_semaphore, #tpu.memory_space<semaphore_mem>>)
    %add3A_28 = arith.constant 224 : i32
    %add3A_29 = arith.addi %mul3A_2, %add3A_28 : i32
    %dma_start3A_30 = tpu.memref_slice %arg4[%add3A_29] : memref<322560xi32, #tpu.memory_space<hbm>> -> memref<112xi32, #tpu.memory_space<hbm>>
    %dma_start3A_31 = tpu.memref_slice %arg4[%add3A_29] : memref<322560xi32, #tpu.memory_space<hbm>> -> memref<112xi32, #tpu.memory_space<hbm>>
    tpu.enqueue_dma source(%dma_start3A_31 : memref<112xi32, #tpu.memory_space<hbm>>) target(%arg8 : memref<112xi32, #tpu.memory_space<vmem>>) target_semaphore(%arg24 : memref<!tpu.dma_semaphore, #tpu.memory_space<semaphore_mem>>)
    %add3A_32 = arith.constant 224 : i32
    %add3A_33 = arith.addi %mul3A_2, %add3A_32 : i32
    %dma_start3A_34 = tpu.memref_slice %arg3[%add3A_33] : memref<322560xi32, #tpu.memory_space<hbm>> -> memref<112xi32, #tpu.memory_space<hbm>>
    %dma_start3A_35 = tpu.memref_slice %arg3[%add3A_33] : memref<322560xi32, #tpu.memory_space<hbm>> -> memref<112xi32, #tpu.memory_space<hbm>>
    tpu.enqueue_dma source(%dma_start3A_35 : memref<112xi32, #tpu.memory_space<hbm>>) target(%arg11 : memref<112xi32, #tpu.memory_space<vmem>>) target_semaphore(%arg24 : memref<!tpu.dma_semaphore, #tpu.memory_space<semaphore_mem>>)
    %dma_wait3A = tpu.memref_slice %arg4[%mul3A_2] : memref<322560xi32, #tpu.memory_space<hbm>> -> memref<112xi32, #tpu.memory_space<hbm>>
    %dma_wait3A_36 = tpu.memref_slice %arg4[%mul3A_2] : memref<322560xi32, #tpu.memory_space<hbm>> -> memref<112xi32, #tpu.memory_space<hbm>>
    tpu.wait_dma2 semaphore(%arg22 : memref<!tpu.dma_semaphore, #tpu.memory_space<semaphore_mem>>) src(%dma_wait3A_36 : memref<112xi32, #tpu.memory_space<hbm>>) dst(%arg6 : memref<112xi32, #tpu.memory_space<vmem>>)
    %dma_wait3A_37 = tpu.memref_slice %arg3[%mul3A_2] : memref<322560xi32, #tpu.memory_space<hbm>> -> memref<112xi32, #tpu.memory_space<hbm>>
    %dma_wait3A_38 = tpu.memref_slice %arg3[%mul3A_2] : memref<322560xi32, #tpu.memory_space<hbm>> -> memref<112xi32, #tpu.memory_space<hbm>>
    tpu.wait_dma2 semaphore(%arg22 : memref<!tpu.dma_semaphore, #tpu.memory_space<semaphore_mem>>) src(%dma_wait3A_38 : memref<112xi32, #tpu.memory_space<hbm>>) dst(%arg9 : memref<112xi32, #tpu.memory_space<vmem>>)
    %dma_start3A_39 = arith.constant 0 : i32
    %dma_start3A_40 = arith.constant 0 : i32
    %dma_start3A_41 = tpu.memref_slice %arg2[%dma_start3A_39, %dma_start3A_40] : memref<10000x128xf32, #tpu.memory_space<hbm>> -> memref<10000x128xf32, #tpu.memory_space<hbm>>
    tpu.enqueue_indirect_dma source(%dma_start3A_41 : memref<10000x128xf32, #tpu.memory_space<hbm>>) target(%arg12 : memref<112x128xf32, #tpu.memory_space<vmem>>) offsets(%arg6 : memref<112xi32, #tpu.memory_space<vmem>>) semaphore(%arg16 : memref<!tpu.dma_semaphore, #tpu.memory_space<semaphore_mem>>)
    %dma_wait3A_42 = tpu.memref_slice %arg4[%mul3A_2] : memref<322560xi32, #tpu.memory_space<hbm>> -> memref<112xi32, #tpu.memory_space<hbm>>
    %dma_wait3A_43 = tpu.memref_slice %arg4[%mul3A_2] : memref<322560xi32, #tpu.memory_space<hbm>> -> memref<112xi32, #tpu.memory_space<hbm>>
    tpu.wait_dma2 semaphore(%arg23 : memref<!tpu.dma_semaphore, #tpu.memory_space<semaphore_mem>>) src(%dma_wait3A_43 : memref<112xi32, #tpu.memory_space<hbm>>) dst(%arg7 : memref<112xi32, #tpu.memory_space<vmem>>)
    %dma_wait3A_44 = tpu.memref_slice %arg3[%mul3A_2] : memref<322560xi32, #tpu.memory_space<hbm>> -> memref<112xi32, #tpu.memory_space<hbm>>
    %dma_wait3A_45 = tpu.memref_slice %arg3[%mul3A_2] : memref<322560xi32, #tpu.memory_space<hbm>> -> memref<112xi32, #tpu.memory_space<hbm>>
    tpu.wait_dma2 semaphore(%arg23 : memref<!tpu.dma_semaphore, #tpu.memory_space<semaphore_mem>>) src(%dma_wait3A_45 : memref<112xi32, #tpu.memory_space<hbm>>) dst(%arg10 : memref<112xi32, #tpu.memory_space<vmem>>)
    %dma_start3A_46 = arith.constant 0 : i32
    %dma_start3A_47 = arith.constant 0 : i32
    %dma_start3A_48 = tpu.memref_slice %arg2[%dma_start3A_46, %dma_start3A_47] : memref<10000x128xf32, #tpu.memory_space<hbm>> -> memref<10000x128xf32, #tpu.memory_space<hbm>>
    tpu.enqueue_indirect_dma source(%dma_start3A_48 : memref<10000x128xf32, #tpu.memory_space<hbm>>) target(%arg13 : memref<112x128xf32, #tpu.memory_space<vmem>>) offsets(%arg7 : memref<112xi32, #tpu.memory_space<vmem>>) semaphore(%arg17 : memref<!tpu.dma_semaphore, #tpu.memory_space<semaphore_mem>>)
    %dma_wait3A_49 = tpu.memref_slice %arg4[%mul3A_2] : memref<322560xi32, #tpu.memory_space<hbm>> -> memref<112xi32, #tpu.memory_space<hbm>>
    %dma_wait3A_50 = tpu.memref_slice %arg4[%mul3A_2] : memref<322560xi32, #tpu.memory_space<hbm>> -> memref<112xi32, #tpu.memory_space<hbm>>
    tpu.wait_dma2 semaphore(%arg24 : memref<!tpu.dma_semaphore, #tpu.memory_space<semaphore_mem>>) src(%dma_wait3A_50 : memref<112xi32, #tpu.memory_space<hbm>>) dst(%arg8 : memref<112xi32, #tpu.memory_space<vmem>>)
    %dma_wait3A_51 = tpu.memref_slice %arg3[%mul3A_2] : memref<322560xi32, #tpu.memory_space<hbm>> -> memref<112xi32, #tpu.memory_space<hbm>>
    %dma_wait3A_52 = tpu.memref_slice %arg3[%mul3A_2] : memref<322560xi32, #tpu.memory_space<hbm>> -> memref<112xi32, #tpu.memory_space<hbm>>
    tpu.wait_dma2 semaphore(%arg24 : memref<!tpu.dma_semaphore, #tpu.memory_space<semaphore_mem>>) src(%dma_wait3A_52 : memref<112xi32, #tpu.memory_space<hbm>>) dst(%arg11 : memref<112xi32, #tpu.memory_space<vmem>>)
    %dma_start3A_53 = arith.constant 0 : i32
    %dma_start3A_54 = arith.constant 0 : i32
    %dma_start3A_55 = tpu.memref_slice %arg2[%dma_start3A_53, %dma_start3A_54] : memref<10000x128xf32, #tpu.memory_space<hbm>> -> memref<10000x128xf32, #tpu.memory_space<hbm>>
    tpu.enqueue_indirect_dma source(%dma_start3A_55 : memref<10000x128xf32, #tpu.memory_space<hbm>>) target(%arg14 : memref<112x128xf32, #tpu.memory_space<vmem>>) offsets(%arg8 : memref<112xi32, #tpu.memory_space<vmem>>) semaphore(%arg18 : memref<!tpu.dma_semaphore, #tpu.memory_space<semaphore_mem>>)
    %barrier3A = arith.constant 0 : index
    tpu.barrier barrier_id(%barrier3A)
    %scan3A_56 = arith.constant 0 : i32
    %scan3A_57 = arith.constant 29 : i32
    %scan3A_58 = arith.addi %scan3A_56, %scan3A_57 : i32
    %scan3A_59 = arith.constant 1 : i32
    scf.for %scan3A_94 = %scan3A_56 to %scan3A_58 step %scan3A_59  : i32 {
      %mul3A_95 = arith.constant 3 : i32
      %mul3A_96 = arith.muli %scan3A_94, %mul3A_95 : i32
      %add3A_97 = arith.constant 0 : i32
      %add3A_98 = arith.addi %add3A_97, %mul3A_96 : i32
      %dma_wait3A_99 = arith.constant 0 : i32
      %dma_wait3A_100 = arith.constant 0 : i32
      %dma_wait3A_101 = tpu.memref_slice %arg2[%dma_wait3A_99, %dma_wait3A_100] : memref<10000x128xf32, #tpu.memory_space<hbm>> -> memref<10000x128xf32, #tpu.memory_space<hbm>>
      tpu.wait_indirect_dma semaphore(%arg16 : memref<!tpu.dma_semaphore, #tpu.memory_space<semaphore_mem>>) src(%dma_wait3A_101 : memref<10000x128xf32, #tpu.memory_space<hbm>>) dst(%arg12 : memref<112x128xf32, #tpu.memory_space<vmem>>)
      %dma_start3A_102 = arith.constant 0 : i32
      %dma_start3A_103 = arith.constant 0 : i32
      %dma_start3A_104 = tpu.memref_slice %arg15[%dma_start3A_102, %dma_start3A_103] : memref<10240x128xf32, #tpu.memory_space<vmem_shared>> -> memref<10240x128xf32, #tpu.memory_space<vmem_shared>>
      tpu.enqueue_indirect_dma source(%arg12 : memref<112x128xf32, #tpu.memory_space<vmem>>) target(%dma_start3A_104 : memref<10240x128xf32, #tpu.memory_space<vmem_shared>>) offsets(%arg9 : memref<112xi32, #tpu.memory_space<vmem>>) semaphore(%arg19 : memref<!tpu.dma_semaphore, #tpu.memory_space<semaphore_mem>>) {add = true}
      %dma_wait3A_105 = arith.constant 0 : i32
      %dma_wait3A_106 = arith.constant 0 : i32
      %dma_wait3A_107 = tpu.memref_slice %arg2[%dma_wait3A_105, %dma_wait3A_106] : memref<10000x128xf32, #tpu.memory_space<hbm>> -> memref<10000x128xf32, #tpu.memory_space<hbm>>
      tpu.wait_indirect_dma semaphore(%arg17 : memref<!tpu.dma_semaphore, #tpu.memory_space<semaphore_mem>>) src(%dma_wait3A_107 : memref<10000x128xf32, #tpu.memory_space<hbm>>) dst(%arg13 : memref<112x128xf32, #tpu.memory_space<vmem>>)
      %dma_start3A_108 = arith.constant 0 : i32
      %dma_start3A_109 = arith.constant 0 : i32
      %dma_start3A_110 = tpu.memref_slice %arg15[%dma_start3A_108, %dma_start3A_109] : memref<10240x128xf32, #tpu.memory_space<vmem_shared>> -> memref<10240x128xf32, #tpu.memory_space<vmem_shared>>
      tpu.enqueue_indirect_dma source(%arg13 : memref<112x128xf32, #tpu.memory_space<vmem>>) target(%dma_start3A_110 : memref<10240x128xf32, #tpu.memory_space<vmem_shared>>) offsets(%arg10 : memref<112xi32, #tpu.memory_space<vmem>>) semaphore(%arg20 : memref<!tpu.dma_semaphore, #tpu.memory_space<semaphore_mem>>) {add = true}
      %dma_wait3A_111 = arith.constant 0 : i32
      %dma_wait3A_112 = arith.constant 0 : i32
      %dma_wait3A_113 = tpu.memref_slice %arg2[%dma_wait3A_111, %dma_wait3A_112] : memref<10000x128xf32, #tpu.memory_space<hbm>> -> memref<10000x128xf32, #tpu.memory_space<hbm>>
      tpu.wait_indirect_dma semaphore(%arg18 : memref<!tpu.dma_semaphore, #tpu.memory_space<semaphore_mem>>) src(%dma_wait3A_113 : memref<10000x128xf32, #tpu.memory_space<hbm>>) dst(%arg14 : memref<112x128xf32, #tpu.memory_space<vmem>>)
      %dma_start3A_114 = arith.constant 0 : i32
      %dma_start3A_115 = arith.constant 0 : i32
      %dma_start3A_116 = tpu.memref_slice %arg15[%dma_start3A_114, %dma_start3A_115] : memref<10240x128xf32, #tpu.memory_space<vmem_shared>> -> memref<10240x128xf32, #tpu.memory_space<vmem_shared>>
      tpu.enqueue_indirect_dma source(%arg14 : memref<112x128xf32, #tpu.memory_space<vmem>>) target(%dma_start3A_116 : memref<10240x128xf32, #tpu.memory_space<vmem_shared>>) offsets(%arg11 : memref<112xi32, #tpu.memory_space<vmem>>) semaphore(%arg21 : memref<!tpu.dma_semaphore, #tpu.memory_space<semaphore_mem>>) {add = true}
      %dma_wait3A_117 = arith.constant 0 : i32
      %dma_wait3A_118 = arith.constant 0 : i32
      %dma_wait3A_119 = tpu.memref_slice %arg15[%dma_wait3A_117, %dma_wait3A_118] : memref<10240x128xf32, #tpu.memory_space<vmem_shared>> -> memref<10240x128xf32, #tpu.memory_space<vmem_shared>>
      tpu.wait_indirect_dma semaphore(%arg19 : memref<!tpu.dma_semaphore, #tpu.memory_space<semaphore_mem>>) src(%arg12 : memref<112x128xf32, #tpu.memory_space<vmem>>) dst(%dma_wait3A_119 : memref<10240x128xf32, #tpu.memory_space<vmem_shared>>)
      %add3A_120 = arith.constant 3 : i32
      %add3A_121 = arith.addi %add3A_98, %add3A_120 : i32
      %add3A_122 = arith.constant 0 : i32
      %add3A_123 = arith.addi %add3A_121, %add3A_122 : i32
      %mul3A_124 = arith.constant 112 : i32
      %mul3A_125 = arith.muli %add3A_123, %mul3A_124 : i32
      %add3A_126 = arith.addi %mul3A_2, %mul3A_125 : i32
      %dma_start3A_127 = tpu.memref_slice %arg4[%add3A_126] : memref<322560xi32, #tpu.memory_space<hbm>> -> memref<112xi32, #tpu.memory_space<hbm>>
      %dma_start3A_128 = tpu.memref_slice %arg4[%add3A_126] : memref<322560xi32, #tpu.memory_space<hbm>> -> memref<112xi32, #tpu.memory_space<hbm>>
      tpu.enqueue_dma source(%dma_start3A_128 : memref<112xi32, #tpu.memory_space<hbm>>) target(%arg6 : memref<112xi32, #tpu.memory_space<vmem>>) target_semaphore(%arg22 : memref<!tpu.dma_semaphore, #tpu.memory_space<semaphore_mem>>)
      %mul3A_129 = arith.constant 112 : i32
      %mul3A_130 = arith.muli %add3A_123, %mul3A_129 : i32
      %add3A_131 = arith.addi %mul3A_2, %mul3A_130 : i32
      %dma_start3A_132 = tpu.memref_slice %arg3[%add3A_131] : memref<322560xi32, #tpu.memory_space<hbm>> -> memref<112xi32, #tpu.memory_space<hbm>>
      %dma_start3A_133 = tpu.memref_slice %arg3[%add3A_131] : memref<322560xi32, #tpu.memory_space<hbm>> -> memref<112xi32, #tpu.memory_space<hbm>>
      tpu.enqueue_dma source(%dma_start3A_133 : memref<112xi32, #tpu.memory_space<hbm>>) target(%arg9 : memref<112xi32, #tpu.memory_space<vmem>>) target_semaphore(%arg22 : memref<!tpu.dma_semaphore, #tpu.memory_space<semaphore_mem>>)
      %dma_wait3A_134 = arith.constant 0 : i32
      %dma_wait3A_135 = arith.constant 0 : i32
      %dma_wait3A_136 = tpu.memref_slice %arg15[%dma_wait3A_134, %dma_wait3A_135] : memref<10240x128xf32, #tpu.memory_space<vmem_shared>> -> memref<10240x128xf32, #tpu.memory_space<vmem_shared>>
      tpu.wait_indirect_dma semaphore(%arg20 : memref<!tpu.dma_semaphore, #tpu.memory_space<semaphore_mem>>) src(%arg13 : memref<112x128xf32, #tpu.memory_space<vmem>>) dst(%dma_wait3A_136 : memref<10240x128xf32, #tpu.memory_space<vmem_shared>>)
      %add3A_137 = arith.constant 3 : i32
      %add3A_138 = arith.addi %add3A_98, %add3A_137 : i32
      %add3A_139 = arith.constant 1 : i32
      %add3A_140 = arith.addi %add3A_138, %add3A_139 : i32
      %mul3A_141 = arith.constant 112 : i32
      %mul3A_142 = arith.muli %add3A_140, %mul3A_141 : i32
      %add3A_143 = arith.addi %mul3A_2, %mul3A_142 : i32
      %dma_start3A_144 = tpu.memref_slice %arg4[%add3A_143] : memref<322560xi32, #tpu.memory_space<hbm>> -> memref<112xi32, #tpu.memory_space<hbm>>
      %dma_start3A_145 = tpu.memref_slice %arg4[%add3A_143] : memref<322560xi32, #tpu.memory_space<hbm>> -> memref<112xi32, #tpu.memory_space<hbm>>
      tpu.enqueue_dma source(%dma_start3A_145 : memref<112xi32, #tpu.memory_space<hbm>>) target(%arg7 : memref<112xi32, #tpu.memory_space<vmem>>) target_semaphore(%arg23 : memref<!tpu.dma_semaphore, #tpu.memory_space<semaphore_mem>>)
      %mul3A_146 = arith.constant 112 : i32
      %mul3A_147 = arith.muli %add3A_140, %mul3A_146 : i32
      %add3A_148 = arith.addi %mul3A_2, %mul3A_147 : i32
      %dma_start3A_149 = tpu.memref_slice %arg3[%add3A_148] : memref<322560xi32, #tpu.memory_space<hbm>> -> memref<112xi32, #tpu.memory_space<hbm>>
      %dma_start3A_150 = tpu.memref_slice %arg3[%add3A_148] : memref<322560xi32, #tpu.memory_space<hbm>> -> memref<112xi32, #tpu.memory_space<hbm>>
      tpu.enqueue_dma source(%dma_start3A_150 : memref<112xi32, #tpu.memory_space<hbm>>) target(%arg10 : memref<112xi32, #tpu.memory_space<vmem>>) target_semaphore(%arg23 : memref<!tpu.dma_semaphore, #tpu.memory_space<semaphore_mem>>)
      %dma_wait3A_151 = arith.constant 0 : i32
      %dma_wait3A_152 = arith.constant 0 : i32
      %dma_wait3A_153 = tpu.memref_slice %arg15[%dma_wait3A_151, %dma_wait3A_152] : memref<10240x128xf32, #tpu.memory_space<vmem_shared>> -> memref<10240x128xf32, #tpu.memory_space<vmem_shared>>
      tpu.wait_indirect_dma semaphore(%arg21 : memref<!tpu.dma_semaphore, #tpu.memory_space<semaphore_mem>>) src(%arg14 : memref<112x128xf32, #tpu.memory_space<vmem>>) dst(%dma_wait3A_153 : memref<10240x128xf32, #tpu.memory_space<vmem_shared>>)
      %add3A_154 = arith.constant 3 : i32
      %add3A_155 = arith.addi %add3A_98, %add3A_154 : i32
      %add3A_156 = arith.constant 2 : i32
      %add3A_157 = arith.addi %add3A_155, %add3A_156 : i32
      %mul3A_158 = arith.constant 112 : i32
      %mul3A_159 = arith.muli %add3A_157, %mul3A_158 : i32
      %add3A_160 = arith.addi %mul3A_2, %mul3A_159 : i32
      %dma_start3A_161 = tpu.memref_slice %arg4[%add3A_160] : memref<322560xi32, #tpu.memory_space<hbm>> -> memref<112xi32, #tpu.memory_space<hbm>>
      %dma_start3A_162 = tpu.memref_slice %arg4[%add3A_160] : memref<322560xi32, #tpu.memory_space<hbm>> -> memref<112xi32, #tpu.memory_space<hbm>>
      tpu.enqueue_dma source(%dma_start3A_162 : memref<112xi32, #tpu.memory_space<hbm>>) target(%arg8 : memref<112xi32, #tpu.memory_space<vmem>>) target_semaphore(%arg24 : memref<!tpu.dma_semaphore, #tpu.memory_space<semaphore_mem>>)
      %mul3A_163 = arith.constant 112 : i32
      %mul3A_164 = arith.muli %add3A_157, %mul3A_163 : i32
      %add3A_165 = arith.addi %mul3A_2, %mul3A_164 : i32
      %dma_start3A_166 = tpu.memref_slice %arg3[%add3A_165] : memref<322560xi32, #tpu.memory_space<hbm>> -> memref<112xi32, #tpu.memory_space<hbm>>
      %dma_start3A_167 = tpu.memref_slice %arg3[%add3A_165] : memref<322560xi32, #tpu.memory_space<hbm>> -> memref<112xi32, #tpu.memory_space<hbm>>
      tpu.enqueue_dma source(%dma_start3A_167 : memref<112xi32, #tpu.memory_space<hbm>>) target(%arg11 : memref<112xi32, #tpu.memory_space<vmem>>) target_semaphore(%arg24 : memref<!tpu.dma_semaphore, #tpu.memory_space<semaphore_mem>>)
      %dma_wait3A_168 = tpu.memref_slice %arg4[%mul3A_2] : memref<322560xi32, #tpu.memory_space<hbm>> -> memref<112xi32, #tpu.memory_space<hbm>>
      %dma_wait3A_169 = tpu.memref_slice %arg4[%mul3A_2] : memref<322560xi32, #tpu.memory_space<hbm>> -> memref<112xi32, #tpu.memory_space<hbm>>
      tpu.wait_dma2 semaphore(%arg22 : memref<!tpu.dma_semaphore, #tpu.memory_space<semaphore_mem>>) src(%dma_wait3A_169 : memref<112xi32, #tpu.memory_space<hbm>>) dst(%arg6 : memref<112xi32, #tpu.memory_space<vmem>>)
      %dma_wait3A_170 = tpu.memref_slice %arg3[%mul3A_2] : memref<322560xi32, #tpu.memory_space<hbm>> -> memref<112xi32, #tpu.memory_space<hbm>>
      %dma_wait3A_171 = tpu.memref_slice %arg3[%mul3A_2] : memref<322560xi32, #tpu.memory_space<hbm>> -> memref<112xi32, #tpu.memory_space<hbm>>
      tpu.wait_dma2 semaphore(%arg22 : memref<!tpu.dma_semaphore, #tpu.memory_space<semaphore_mem>>) src(%dma_wait3A_171 : memref<112xi32, #tpu.memory_space<hbm>>) dst(%arg9 : memref<112xi32, #tpu.memory_space<vmem>>)
      %dma_start3A_172 = arith.constant 0 : i32
      %dma_start3A_173 = arith.constant 0 : i32
      %dma_start3A_174 = tpu.memref_slice %arg2[%dma_start3A_172, %dma_start3A_173] : memref<10000x128xf32, #tpu.memory_space<hbm>> -> memref<10000x128xf32, #tpu.memory_space<hbm>>
      tpu.enqueue_indirect_dma source(%dma_start3A_174 : memref<10000x128xf32, #tpu.memory_space<hbm>>) target(%arg12 : memref<112x128xf32, #tpu.memory_space<vmem>>) offsets(%arg6 : memref<112xi32, #tpu.memory_space<vmem>>) semaphore(%arg16 : memref<!tpu.dma_semaphore, #tpu.memory_space<semaphore_mem>>)
      %dma_wait3A_175 = tpu.memref_slice %arg4[%mul3A_2] : memref<322560xi32, #tpu.memory_space<hbm>> -> memref<112xi32, #tpu.memory_space<hbm>>
      %dma_wait3A_176 = tpu.memref_slice %arg4[%mul3A_2] : memref<322560xi32, #tpu.memory_space<hbm>> -> memref<112xi32, #tpu.memory_space<hbm>>
      tpu.wait_dma2 semaphore(%arg23 : memref<!tpu.dma_semaphore, #tpu.memory_space<semaphore_mem>>) src(%dma_wait3A_176 : memref<112xi32, #tpu.memory_space<hbm>>) dst(%arg7 : memref<112xi32, #tpu.memory_space<vmem>>)
      %dma_wait3A_177 = tpu.memref_slice %arg3[%mul3A_2] : memref<322560xi32, #tpu.memory_space<hbm>> -> memref<112xi32, #tpu.memory_space<hbm>>
      %dma_wait3A_178 = tpu.memref_slice %arg3[%mul3A_2] : memref<322560xi32, #tpu.memory_space<hbm>> -> memref<112xi32, #tpu.memory_space<hbm>>
      tpu.wait_dma2 semaphore(%arg23 : memref<!tpu.dma_semaphore, #tpu.memory_space<semaphore_mem>>) src(%dma_wait3A_178 : memref<112xi32, #tpu.memory_space<hbm>>) dst(%arg10 : memref<112xi32, #tpu.memory_space<vmem>>)
      %dma_start3A_179 = arith.constant 0 : i32
      %dma_start3A_180 = arith.constant 0 : i32
      %dma_start3A_181 = tpu.memref_slice %arg2[%dma_start3A_179, %dma_start3A_180] : memref<10000x128xf32, #tpu.memory_space<hbm>> -> memref<10000x128xf32, #tpu.memory_space<hbm>>
      tpu.enqueue_indirect_dma source(%dma_start3A_181 : memref<10000x128xf32, #tpu.memory_space<hbm>>) target(%arg13 : memref<112x128xf32, #tpu.memory_space<vmem>>) offsets(%arg7 : memref<112xi32, #tpu.memory_space<vmem>>) semaphore(%arg17 : memref<!tpu.dma_semaphore, #tpu.memory_space<semaphore_mem>>)
      %dma_wait3A_182 = tpu.memref_slice %arg4[%mul3A_2] : memref<322560xi32, #tpu.memory_space<hbm>> -> memref<112xi32, #tpu.memory_space<hbm>>
      %dma_wait3A_183 = tpu.memref_slice %arg4[%mul3A_2] : memref<322560xi32, #tpu.memory_space<hbm>> -> memref<112xi32, #tpu.memory_space<hbm>>
      tpu.wait_dma2 semaphore(%arg24 : memref<!tpu.dma_semaphore, #tpu.memory_space<semaphore_mem>>) src(%dma_wait3A_183 : memref<112xi32, #tpu.memory_space<hbm>>) dst(%arg8 : memref<112xi32, #tpu.memory_space<vmem>>)
      %dma_wait3A_184 = tpu.memref_slice %arg3[%mul3A_2] : memref<322560xi32, #tpu.memory_space<hbm>> -> memref<112xi32, #tpu.memory_space<hbm>>
      %dma_wait3A_185 = tpu.memref_slice %arg3[%mul3A_2] : memref<322560xi32, #tpu.memory_space<hbm>> -> memref<112xi32, #tpu.memory_space<hbm>>
      tpu.wait_dma2 semaphore(%arg24 : memref<!tpu.dma_semaphore, #tpu.memory_space<semaphore_mem>>) src(%dma_wait3A_185 : memref<112xi32, #tpu.memory_space<hbm>>) dst(%arg11 : memref<112xi32, #tpu.memory_space<vmem>>)
      %dma_start3A_186 = arith.constant 0 : i32
      %dma_start3A_187 = arith.constant 0 : i32
      %dma_start3A_188 = tpu.memref_slice %arg2[%dma_start3A_186, %dma_start3A_187] : memref<10000x128xf32, #tpu.memory_space<hbm>> -> memref<10000x128xf32, #tpu.memory_space<hbm>>
      tpu.enqueue_indirect_dma source(%dma_start3A_188 : memref<10000x128xf32, #tpu.memory_space<hbm>>) target(%arg14 : memref<112x128xf32, #tpu.memory_space<vmem>>) offsets(%arg8 : memref<112xi32, #tpu.memory_space<vmem>>) semaphore(%arg18 : memref<!tpu.dma_semaphore, #tpu.memory_space<semaphore_mem>>)
    }
    %scan3A_60 = arith.constant 29 : i32
    %dma_wait3A_61 = arith.constant 0 : i32
    %dma_wait3A_62 = arith.constant 0 : i32
    %dma_wait3A_63 = tpu.memref_slice %arg2[%dma_wait3A_61, %dma_wait3A_62] : memref<10000x128xf32, #tpu.memory_space<hbm>> -> memref<10000x128xf32, #tpu.memory_space<hbm>>
    tpu.wait_indirect_dma semaphore(%arg16 : memref<!tpu.dma_semaphore, #tpu.memory_space<semaphore_mem>>) src(%dma_wait3A_63 : memref<10000x128xf32, #tpu.memory_space<hbm>>) dst(%arg12 : memref<112x128xf32, #tpu.memory_space<vmem>>)
    %dma_start3A_64 = arith.constant 0 : i32
    %dma_start3A_65 = arith.constant 0 : i32
    %dma_start3A_66 = tpu.memref_slice %arg15[%dma_start3A_64, %dma_start3A_65] : memref<10240x128xf32, #tpu.memory_space<vmem_shared>> -> memref<10240x128xf32, #tpu.memory_space<vmem_shared>>
    tpu.enqueue_indirect_dma source(%arg12 : memref<112x128xf32, #tpu.memory_space<vmem>>) target(%dma_start3A_66 : memref<10240x128xf32, #tpu.memory_space<vmem_shared>>) offsets(%arg9 : memref<112xi32, #tpu.memory_space<vmem>>) semaphore(%arg19 : memref<!tpu.dma_semaphore, #tpu.memory_space<semaphore_mem>>) {add = true}
    %dma_wait3A_67 = arith.constant 0 : i32
    %dma_wait3A_68 = arith.constant 0 : i32
    %dma_wait3A_69 = tpu.memref_slice %arg2[%dma_wait3A_67, %dma_wait3A_68] : memref<10000x128xf32, #tpu.memory_space<hbm>> -> memref<10000x128xf32, #tpu.memory_space<hbm>>
    tpu.wait_indirect_dma semaphore(%arg17 : memref<!tpu.dma_semaphore, #tpu.memory_space<semaphore_mem>>) src(%dma_wait3A_69 : memref<10000x128xf32, #tpu.memory_space<hbm>>) dst(%arg13 : memref<112x128xf32, #tpu.memory_space<vmem>>)
    %dma_start3A_70 = arith.constant 0 : i32
    %dma_start3A_71 = arith.constant 0 : i32
    %dma_start3A_72 = tpu.memref_slice %arg15[%dma_start3A_70, %dma_start3A_71] : memref<10240x128xf32, #tpu.memory_space<vmem_shared>> -> memref<10240x128xf32, #tpu.memory_space<vmem_shared>>
    tpu.enqueue_indirect_dma source(%arg13 : memref<112x128xf32, #tpu.memory_space<vmem>>) target(%dma_start3A_72 : memref<10240x128xf32, #tpu.memory_space<vmem_shared>>) offsets(%arg10 : memref<112xi32, #tpu.memory_space<vmem>>) semaphore(%arg20 : memref<!tpu.dma_semaphore, #tpu.memory_space<semaphore_mem>>) {add = true}
    %dma_wait3A_73 = arith.constant 0 : i32
    %dma_wait3A_74 = arith.constant 0 : i32
    %dma_wait3A_75 = tpu.memref_slice %arg2[%dma_wait3A_73, %dma_wait3A_74] : memref<10000x128xf32, #tpu.memory_space<hbm>> -> memref<10000x128xf32, #tpu.memory_space<hbm>>
    tpu.wait_indirect_dma semaphore(%arg18 : memref<!tpu.dma_semaphore, #tpu.memory_space<semaphore_mem>>) src(%dma_wait3A_75 : memref<10000x128xf32, #tpu.memory_space<hbm>>) dst(%arg14 : memref<112x128xf32, #tpu.memory_space<vmem>>)
    %dma_start3A_76 = arith.constant 0 : i32
    %dma_start3A_77 = arith.constant 0 : i32
    %dma_start3A_78 = tpu.memref_slice %arg15[%dma_start3A_76, %dma_start3A_77] : memref<10240x128xf32, #tpu.memory_space<vmem_shared>> -> memref<10240x128xf32, #tpu.memory_space<vmem_shared>>
    tpu.enqueue_indirect_dma source(%arg14 : memref<112x128xf32, #tpu.memory_space<vmem>>) target(%dma_start3A_78 : memref<10240x128xf32, #tpu.memory_space<vmem_shared>>) offsets(%arg11 : memref<112xi32, #tpu.memory_space<vmem>>) semaphore(%arg21 : memref<!tpu.dma_semaphore, #tpu.memory_space<semaphore_mem>>) {add = true}
    %dma_wait3A_79 = arith.constant 0 : i32
    %dma_wait3A_80 = arith.constant 0 : i32
    %dma_wait3A_81 = tpu.memref_slice %arg15[%dma_wait3A_79, %dma_wait3A_80] : memref<10240x128xf32, #tpu.memory_space<vmem_shared>> -> memref<10240x128xf32, #tpu.memory_space<vmem_shared>>
    tpu.wait_indirect_dma semaphore(%arg19 : memref<!tpu.dma_semaphore, #tpu.memory_space<semaphore_mem>>) src(%arg12 : memref<112x128xf32, #tpu.memory_space<vmem>>) dst(%dma_wait3A_81 : memref<10240x128xf32, #tpu.memory_space<vmem_shared>>)
    %dma_wait3A_82 = arith.constant 0 : i32
    %dma_wait3A_83 = arith.constant 0 : i32
    %dma_wait3A_84 = tpu.memref_slice %arg15[%dma_wait3A_82, %dma_wait3A_83] : memref<10240x128xf32, #tpu.memory_space<vmem_shared>> -> memref<10240x128xf32, #tpu.memory_space<vmem_shared>>
    tpu.wait_indirect_dma semaphore(%arg20 : memref<!tpu.dma_semaphore, #tpu.memory_space<semaphore_mem>>) src(%arg13 : memref<112x128xf32, #tpu.memory_space<vmem>>) dst(%dma_wait3A_84 : memref<10240x128xf32, #tpu.memory_space<vmem_shared>>)
    %dma_wait3A_85 = arith.constant 0 : i32
    %dma_wait3A_86 = arith.constant 0 : i32
    %dma_wait3A_87 = tpu.memref_slice %arg15[%dma_wait3A_85, %dma_wait3A_86] : memref<10240x128xf32, #tpu.memory_space<vmem_shared>> -> memref<10240x128xf32, #tpu.memory_space<vmem_shared>>
    tpu.wait_indirect_dma semaphore(%arg21 : memref<!tpu.dma_semaphore, #tpu.memory_space<semaphore_mem>>) src(%arg14 : memref<112x128xf32, #tpu.memory_space<vmem>>) dst(%dma_wait3A_87 : memref<10240x128xf32, #tpu.memory_space<vmem_shared>>)
    %barrier3A_88 = arith.constant 0 : index
    tpu.barrier barrier_id(%barrier3A_88)
    %scan3A_89 = arith.constant 0 : i32
    %scan3A_90 = arith.constant 8 : i32
    %scan3A_91 = arith.addi %scan3A_89, %scan3A_90 : i32
    %scan3A_92 = arith.constant 1 : i32
    scf.for %scan3A_94 = %scan3A_89 to %scan3A_91 step %scan3A_92  : i32 {
      %mul3A_95 = arith.constant 1 : i32
      %mul3A_96 = arith.muli %scan3A_94, %mul3A_95 : i32
      %add3A_97 = arith.constant 0 : i32
      %add3A_98 = arith.addi %add3A_97, %mul3A_96 : i32
      %mul3A_99 = arith.constant 640 : i32
      %mul3A_100 = arith.muli %arg1, %mul3A_99 : i32
      %mul3A_101 = arith.constant 80 : i32
      %mul3A_102 = arith.muli %add3A_98, %mul3A_101 : i32
      %add3A_103 = arith.addi %mul3A_100, %mul3A_102 : i32
      "tpu.region"() ({
        %run_scoped3A = tpu.sem_alloc : memref<!tpu.dma_semaphore, #tpu.memory_space<semaphore_mem>>
        %dma_start3A_109 = arith.constant 0 : i32
        %dma_start3A_110 = arith.constant 0 : i32
        %dma_start3A_111 = tpu.memref_slice %arg12[%dma_start3A_109, %dma_start3A_110] : memref<112x128xf32, #tpu.memory_space<vmem>> -> memref<80x128xf32, #tpu.memory_space<vmem>>
        %dma_start3A_112 = arith.constant 0 : i32
        %dma_start3A_113 = tpu.memref_slice %arg15[%add3A_103, %dma_start3A_112] : memref<10240x128xf32, #tpu.memory_space<vmem_shared>> -> memref<80x128xf32, #tpu.memory_space<vmem_shared>>
        %dma_start3A_114 = arith.constant 0 : i32
        %dma_start3A_115 = arith.constant 0 : i32
        %dma_start3A_116 = tpu.memref_slice %arg12[%dma_start3A_114, %dma_start3A_115] : memref<112x128xf32, #tpu.memory_space<vmem>> -> memref<80x128xf32, #tpu.memory_space<vmem>>
        %dma_start3A_117 = arith.constant 0 : i32
        %dma_start3A_118 = tpu.memref_slice %arg15[%add3A_103, %dma_start3A_117] : memref<10240x128xf32, #tpu.memory_space<vmem_shared>> -> memref<80x128xf32, #tpu.memory_space<vmem_shared>>
        tpu.enqueue_dma source(%dma_start3A_118 : memref<80x128xf32, #tpu.memory_space<vmem_shared>>) target(%dma_start3A_116 : memref<80x128xf32, #tpu.memory_space<vmem>>) target_semaphore(%run_scoped3A : memref<!tpu.dma_semaphore, #tpu.memory_space<semaphore_mem>>)
        %dma_wait3A_119 = arith.constant 0 : i32
        %dma_wait3A_120 = arith.constant 0 : i32
        %dma_wait3A_121 = tpu.memref_slice %arg12[%dma_wait3A_119, %dma_wait3A_120] : memref<112x128xf32, #tpu.memory_space<vmem>> -> memref<80x128xf32, #tpu.memory_space<vmem>>
        %dma_wait3A_122 = arith.constant 0 : i32
        %dma_wait3A_123 = tpu.memref_slice %arg15[%add3A_103, %dma_wait3A_122] : memref<10240x128xf32, #tpu.memory_space<vmem_shared>> -> memref<80x128xf32, #tpu.memory_space<vmem_shared>>
        %dma_wait3A_124 = arith.constant 0 : i32
        %dma_wait3A_125 = arith.constant 0 : i32
        %dma_wait3A_126 = tpu.memref_slice %arg12[%dma_wait3A_124, %dma_wait3A_125] : memref<112x128xf32, #tpu.memory_space<vmem>> -> memref<80x128xf32, #tpu.memory_space<vmem>>
        %dma_wait3A_127 = arith.constant 0 : i32
        %dma_wait3A_128 = tpu.memref_slice %arg15[%add3A_103, %dma_wait3A_127] : memref<10240x128xf32, #tpu.memory_space<vmem_shared>> -> memref<80x128xf32, #tpu.memory_space<vmem_shared>>
        tpu.wait_dma2 semaphore(%run_scoped3A : memref<!tpu.dma_semaphore, #tpu.memory_space<semaphore_mem>>) src(%dma_wait3A_128 : memref<80x128xf32, #tpu.memory_space<vmem_shared>>) dst(%dma_wait3A_126 : memref<80x128xf32, #tpu.memory_space<vmem>>)
        tpu.yield
      }) : () -> ()
      %mul3A_104 = arith.constant 640 : i32
      %mul3A_105 = arith.muli %arg1, %mul3A_104 : i32
      %mul3A_106 = arith.constant 80 : i32
      %mul3A_107 = arith.muli %add3A_98, %mul3A_106 : i32
      %add3A_108 = arith.addi %mul3A_105, %mul3A_107 : i32
      "tpu.region"() ({
        %run_scoped3A = tpu.sem_alloc : memref<!tpu.dma_semaphore, #tpu.memory_space<semaphore_mem>>
        %dma_start3A_109 = arith.constant 0 : i32
        %dma_start3A_110 = arith.constant 0 : i32
        %dma_start3A_111 = tpu.memref_slice %arg12[%dma_start3A_109, %dma_start3A_110] : memref<112x128xf32, #tpu.memory_space<vmem>> -> memref<80x128xf32, #tpu.memory_space<vmem>>
        %dma_start3A_112 = arith.constant 0 : i32
        %dma_start3A_113 = tpu.memref_slice %arg5[%arg0, %add3A_108, %dma_start3A_112] : memref<2x10240x128xf32, #tpu.memory_space<hbm>> -> memref<1x80x128xf32, #tpu.memory_space<hbm>>
        %dma_start3A_114 = tpu.memref_squeeze %dma_start3A_113 : memref<1x80x128xf32, #tpu.memory_space<hbm>> -> memref<80x128xf32, #tpu.memory_space<hbm>>
        %dma_start3A_115 = arith.constant 0 : i32
        %dma_start3A_116 = tpu.memref_slice %arg5[%arg0, %add3A_108, %dma_start3A_115] : memref<2x10240x128xf32, #tpu.memory_space<hbm>> -> memref<1x80x128xf32, #tpu.memory_space<hbm>>
        %dma_start3A_117 = tpu.memref_squeeze %dma_start3A_116 : memref<1x80x128xf32, #tpu.memory_space<hbm>> -> memref<80x128xf32, #tpu.memory_space<hbm>>
        %dma_start3A_118 = arith.constant 0 : i32
        %dma_start3A_119 = arith.constant 0 : i32
        %dma_start3A_120 = tpu.memref_slice %arg12[%dma_start3A_118, %dma_start3A_119] : memref<112x128xf32, #tpu.memory_space<vmem>> -> memref<80x128xf32, #tpu.memory_space<vmem>>
        tpu.enqueue_dma source(%dma_start3A_120 : memref<80x128xf32, #tpu.memory_space<vmem>>) target(%dma_start3A_117 : memref<80x128xf32, #tpu.memory_space<hbm>>) target_semaphore(%run_scoped3A : memref<!tpu.dma_semaphore, #tpu.memory_space<semaphore_mem>>)
        %dma_wait3A_121 = arith.constant 0 : i32
        %dma_wait3A_122 = arith.constant 0 : i32
        %dma_wait3A_123 = tpu.memref_slice %arg12[%dma_wait3A_121, %dma_wait3A_122] : memref<112x128xf32, #tpu.memory_space<vmem>> -> memref<80x128xf32, #tpu.memory_space<vmem>>
        %dma_wait3A_124 = arith.constant 0 : i32
        %dma_wait3A_125 = tpu.memref_slice %arg5[%arg0, %add3A_108, %dma_wait3A_124] : memref<2x10240x128xf32, #tpu.memory_space<hbm>> -> memref<1x80x128xf32, #tpu.memory_space<hbm>>
        %dma_wait3A_126 = tpu.memref_squeeze %dma_wait3A_125 : memref<1x80x128xf32, #tpu.memory_space<hbm>> -> memref<80x128xf32, #tpu.memory_space<hbm>>
        %dma_wait3A_127 = arith.constant 0 : i32
        %dma_wait3A_128 = tpu.memref_slice %arg5[%arg0, %add3A_108, %dma_wait3A_127] : memref<2x10240x128xf32, #tpu.memory_space<hbm>> -> memref<1x80x128xf32, #tpu.memory_space<hbm>>
        %dma_wait3A_129 = tpu.memref_squeeze %dma_wait3A_128 : memref<1x80x128xf32, #tpu.memory_space<hbm>> -> memref<80x128xf32, #tpu.memory_space<hbm>>
        %dma_wait3A_130 = arith.constant 0 : i32
        %dma_wait3A_131 = arith.constant 0 : i32
        %dma_wait3A_132 = tpu.memref_slice %arg12[%dma_wait3A_130, %dma_wait3A_131] : memref<112x128xf32, #tpu.memory_space<vmem>> -> memref<80x128xf32, #tpu.memory_space<vmem>>
        tpu.wait_dma2 semaphore(%run_scoped3A : memref<!tpu.dma_semaphore, #tpu.memory_space<semaphore_mem>>) src(%dma_wait3A_132 : memref<80x128xf32, #tpu.memory_space<vmem>>) dst(%dma_wait3A_129 : memref<80x128xf32, #tpu.memory_space<hbm>>)
        tpu.yield
      }) : () -> ()
    }
    %scan3A_93 = arith.constant 8 : i32
    return
  }
}

module attributes {stable_mosaic.version = 14 : i64} {
  func.func @_mm_scale_body(%arg0: memref<10000x128xf32, #tpu.memory_space<vmem>>, %arg1: memref<128x128xf32, #tpu.memory_space<vmem>>, %arg2: memref<32x640x128xf32, #tpu.memory_space<vmem>>, %arg3: memref<10000x128xf32, #tpu.memory_space<vmem>>, %arg4: memref<10000x128xf32, #tpu.memory_space<vmem>>) attributes {dimension_semantics = [], scalar_prefetch = 0 : i64, scratch_operands = 0 : i64, tpu.core_type = #tpu.core_type<tc>} {
    %get3A = arith.constant 0 : index
    %get3A_0 = arith.constant 0 : index
    %get3A_1 = vector.load %arg0[%get3A, %get3A_0] : memref<10000x128xf32, #tpu.memory_space<vmem>>, vector<10000x128xf32>
    %get3A_2 = arith.constant 0 : index
    %get3A_3 = arith.constant 0 : index
    %get3A_4 = vector.load %arg1[%get3A_2, %get3A_3] : memref<128x128xf32, #tpu.memory_space<vmem>>, vector<128x128xf32>
    %dot_general3A = arith.constant dense<0.000000e+00> : vector<10000x128xf32>
    %dot_general3A_5 = tpu.matmul %get3A_1, %get3A_4, %dot_general3A {dimension_numbers = #tpu.dot_dimension_numbers<[1], [0], [0], [1], [0, 0, 1, 1], [], []>, transpose_lhs_hint = false} : vector<10000x128xf32>, vector<128x128xf32>, vector<10000x128xf32> -> vector<10000x128xf32>
    %swap3A = arith.constant 0 : index
    %swap3A_6 = arith.constant 0 : index
    %swap3A_7 = vector.load %arg3[%swap3A, %swap3A_6] : memref<10000x128xf32, #tpu.memory_space<vmem>>, vector<10000x128xf32>
    tpu.vector_store %arg3[%swap3A, %swap3A_6], %dot_general3A_5 {strides = array<i32>} : memref<10000x128xf32, #tpu.memory_space<vmem>>, vector<10000x128xf32>,
    %get3A_8 = arith.constant 0 : index
    %get3A_9 = arith.constant 0 : index
    %get3A_10 = arith.constant 0 : index
    %get3A_11 = vector.load %arg2[%get3A_8, %get3A_9, %get3A_10] : memref<32x640x128xf32, #tpu.memory_space<vmem>>, vector<32x640x128xf32>
    %reduce_sum3A = arith.constant dense<0.000000e+00> : vector<640x128xf32>
    %reduce_sum3A_12 = vector.multi_reduction <add>, %get3A_11, %reduce_sum3A [0] : vector<32x640x128xf32> to vector<640x128xf32>
    %iota3A = tpu.iota {dimensions = array<i32: 0>} : vector<128x16xi32>
    %iota3A_13 = tpu.iota {dimensions = array<i32: 1>} : vector<128x16xi32>
    %jit3A = arith.constant 8 : i32
    %div3A = vector.broadcast %jit3A : i32 to vector<128x16xi32>
    %div3A_14 = arith.divsi %iota3A, %div3A : vector<128x16xi32>
    %sign3A = arith.constant 0 : i32
    %sign3A_15 = vector.broadcast %sign3A : i32 to vector<128x16xi32>
    %sign3A_16 = arith.cmpi sgt, %iota3A, %sign3A_15 : vector<128x16xi32>
    %sign3A_17 = arith.extui %sign3A_16 : vector<128x16xi1> to vector<128x16xi32>
    %sign3A_18 = arith.constant 0 : i32
    %sign3A_19 = vector.broadcast %sign3A_18 : i32 to vector<128x16xi32>
    %sign3A_20 = arith.cmpi slt, %iota3A, %sign3A_19 : vector<128x16xi32>
    %sign3A_21 = arith.extui %sign3A_20 : vector<128x16xi1> to vector<128x16xi32>
    %sign3A_22 = arith.subi %sign3A_17, %sign3A_21 : vector<128x16xi32>
    %sign3A_23 = arith.constant 0 : i32
    %sign3A_24 = arith.cmpi sgt, %jit3A, %sign3A_23 : i32
    %sign3A_25 = arith.extui %sign3A_24 : i1 to i32
    %sign3A_26 = arith.constant 0 : i32
    %sign3A_27 = arith.cmpi slt, %jit3A, %sign3A_26 : i32
    %sign3A_28 = arith.extui %sign3A_27 : i1 to i32
    %sign3A_29 = arith.subi %sign3A_25, %sign3A_28 : i32
    %ne3A = vector.broadcast %sign3A_29 : i32 to vector<128x16xi32>
    %ne3A_30 = arith.cmpi ne, %sign3A_22, %ne3A : vector<128x16xi32>
    %rem3A = vector.broadcast %jit3A : i32 to vector<128x16xi32>
    %rem3A_31 = arith.remsi %iota3A, %rem3A : vector<128x16xi32>
    %ne3A_32 = arith.constant 0 : i32
    %ne3A_33 = vector.broadcast %ne3A_32 : i32 to vector<128x16xi32>
    %ne3A_34 = arith.cmpi ne, %rem3A_31, %ne3A_33 : vector<128x16xi32>
    %and3A = arith.andi %ne3A_30, %ne3A_34 : vector<128x16xi1>
    %sub3A = arith.constant 1 : i32
    %sub3A_35 = vector.broadcast %sub3A : i32 to vector<128x16xi32>
    %sub3A_36 = arith.subi %div3A_14, %sub3A_35 : vector<128x16xi32>
    %select_n3A = arith.select %and3A, %sub3A_36, %div3A_14 : vector<128x16xi1>, vector<128x16xi32>
    %eq3A = arith.cmpi eq, %select_n3A, %iota3A_13 : vector<128x16xi32>
    %convert_element_type3A = arith.extui %eq3A : vector<128x16xi1> to vector<128x16xi32>
    %convert_element_type3A_37 = arith.sitofp %convert_element_type3A : vector<128x16xi32> to vector<128x16xf32>
    %dot_general3A_38 = arith.constant dense<0.000000e+00> : vector<640x16xf32>
    %dot_general3A_39 = tpu.matmul %reduce_sum3A_12, %convert_element_type3A_37, %dot_general3A_38 {dimension_numbers = #tpu.dot_dimension_numbers<[1], [0], [0], [1], [0, 0, 1, 1], [], []>, transpose_lhs_hint = false} : vector<640x128xf32>, vector<128x16xf32>, vector<640x16xf32> -> vector<640x16xf32>
    %add3A = arith.constant 2.000000e+00 : f32
    %add3A_40 = vector.broadcast %add3A : f32 to vector<640x16xf32>
    %add3A_41 = arith.addf %dot_general3A_39, %add3A_40 : vector<640x16xf32>
    %slice3A = vector.extract_strided_slice %add3A_41 {offsets = [0, 0], sizes = [625, 16], strides = [1, 1]} : vector<640x16xf32> to vector<625x16xf32>
    %rsqrt3A = math.rsqrt %slice3A : vector<625x16xf32>
    %reshape3A = vector.shape_cast %dot_general3A_5 : vector<10000x128xf32> to vector<625x16x128xf32>
    %broadcast_in_dim3A = vector.shape_cast %rsqrt3A : vector<625x16xf32> to vector<625x16x1xf32>
    %mul3A = vector.broadcast %broadcast_in_dim3A : vector<625x16x1xf32> to vector<625x16x128xf32>
    %mul3A_42 = arith.mulf %reshape3A, %mul3A : vector<625x16x128xf32>
    %reshape3A_43 = vector.shape_cast %mul3A_42 : vector<625x16x128xf32> to vector<10000x128xf32>
    %swap3A_44 = arith.constant 0 : index
    %swap3A_45 = arith.constant 0 : index
    %swap3A_46 = vector.load %arg4[%swap3A_44, %swap3A_45] : memref<10000x128xf32, #tpu.memory_space<vmem>>, vector<10000x128xf32>
    tpu.vector_store %arg4[%swap3A_44, %swap3A_45], %reshape3A_43 {strides = array<i32>} : memref<10000x128xf32, #tpu.memory_space<vmem>>, vector<10000x128xf32>,
    return
  }
}

module attributes {stable_mosaic.version = 14 : i64} {
  func.func @_final_body(%arg0: memref<10000x128xf32, #tpu.memory_space<vmem>>, %arg1: memref<32x640x128xf32, #tpu.memory_space<vmem>>, %arg2: memref<2x10240x128xf32, #tpu.memory_space<vmem>>, %arg3: memref<10000x128xf32, #tpu.memory_space<vmem>>) attributes {dimension_semantics = [], scalar_prefetch = 0 : i64, scratch_operands = 0 : i64, tpu.core_type = #tpu.core_type<tc>} {
    %get3A = arith.constant 0 : index
    %get3A_0 = arith.constant 0 : index
    %get3A_1 = arith.constant 0 : index
    %get3A_2 = vector.load %arg1[%get3A, %get3A_0, %get3A_1] : memref<32x640x128xf32, #tpu.memory_space<vmem>>, vector<32x640x128xf32>
    %reduce_sum3A = arith.constant dense<0.000000e+00> : vector<640x128xf32>
    %reduce_sum3A_3 = vector.multi_reduction <add>, %get3A_2, %reduce_sum3A [0] : vector<32x640x128xf32> to vector<640x128xf32>
    %iota3A = tpu.iota {dimensions = array<i32: 0>} : vector<128x16xi32>
    %iota3A_4 = tpu.iota {dimensions = array<i32: 1>} : vector<128x16xi32>
    %jit3A = arith.constant 8 : i32
    %div3A = vector.broadcast %jit3A : i32 to vector<128x16xi32>
    %div3A_5 = arith.divsi %iota3A, %div3A : vector<128x16xi32>
    %sign3A = arith.constant 0 : i32
    %sign3A_6 = vector.broadcast %sign3A : i32 to vector<128x16xi32>
    %sign3A_7 = arith.cmpi sgt, %iota3A, %sign3A_6 : vector<128x16xi32>
    %sign3A_8 = arith.extui %sign3A_7 : vector<128x16xi1> to vector<128x16xi32>
    %sign3A_9 = arith.constant 0 : i32
    %sign3A_10 = vector.broadcast %sign3A_9 : i32 to vector<128x16xi32>
    %sign3A_11 = arith.cmpi slt, %iota3A, %sign3A_10 : vector<128x16xi32>
    %sign3A_12 = arith.extui %sign3A_11 : vector<128x16xi1> to vector<128x16xi32>
    %sign3A_13 = arith.subi %sign3A_8, %sign3A_12 : vector<128x16xi32>
    %sign3A_14 = arith.constant 0 : i32
    %sign3A_15 = arith.cmpi sgt, %jit3A, %sign3A_14 : i32
    %sign3A_16 = arith.extui %sign3A_15 : i1 to i32
    %sign3A_17 = arith.constant 0 : i32
    %sign3A_18 = arith.cmpi slt, %jit3A, %sign3A_17 : i32
    %sign3A_19 = arith.extui %sign3A_18 : i1 to i32
    %sign3A_20 = arith.subi %sign3A_16, %sign3A_19 : i32
    %ne3A = vector.broadcast %sign3A_20 : i32 to vector<128x16xi32>
    %ne3A_21 = arith.cmpi ne, %sign3A_13, %ne3A : vector<128x16xi32>
    %rem3A = vector.broadcast %jit3A : i32 to vector<128x16xi32>
    %rem3A_22 = arith.remsi %iota3A, %rem3A : vector<128x16xi32>
    %ne3A_23 = arith.constant 0 : i32
    %ne3A_24 = vector.broadcast %ne3A_23 : i32 to vector<128x16xi32>
    %ne3A_25 = arith.cmpi ne, %rem3A_22, %ne3A_24 : vector<128x16xi32>
    %and3A = arith.andi %ne3A_21, %ne3A_25 : vector<128x16xi1>
    %sub3A = arith.constant 1 : i32
    %sub3A_26 = vector.broadcast %sub3A : i32 to vector<128x16xi32>
    %sub3A_27 = arith.subi %div3A_5, %sub3A_26 : vector<128x16xi32>
    %select_n3A = arith.select %and3A, %sub3A_27, %div3A_5 : vector<128x16xi1>, vector<128x16xi32>
    %eq3A = arith.cmpi eq, %select_n3A, %iota3A_4 : vector<128x16xi32>
    %convert_element_type3A = arith.extui %eq3A : vector<128x16xi1> to vector<128x16xi32>
    %convert_element_type3A_28 = arith.sitofp %convert_element_type3A : vector<128x16xi32> to vector<128x16xf32>
    %dot_general3A = arith.constant dense<0.000000e+00> : vector<640x16xf32>
    %dot_general3A_29 = tpu.matmul %reduce_sum3A_3, %convert_element_type3A_28, %dot_general3A {dimension_numbers = #tpu.dot_dimension_numbers<[1], [0], [0], [1], [0, 0, 1, 1], [], []>, transpose_lhs_hint = false} : vector<640x128xf32>, vector<128x16xf32>, vector<640x16xf32> -> vector<640x16xf32>
    %add3A = arith.constant 2.000000e+00 : f32
    %add3A_30 = vector.broadcast %add3A : f32 to vector<640x16xf32>
    %add3A_31 = arith.addf %dot_general3A_29, %add3A_30 : vector<640x16xf32>
    %slice3A = vector.extract_strided_slice %add3A_31 {offsets = [0, 0], sizes = [625, 16], strides = [1, 1]} : vector<640x16xf32> to vector<625x16xf32>
    %rsqrt3A = math.rsqrt %slice3A : vector<625x16xf32>
    %get3A_32 = arith.constant 0 : index
    %get3A_33 = arith.constant 0 : index
    %get3A_34 = arith.constant 0 : index
    %get3A_35 = vector.load %arg2[%get3A_32, %get3A_33, %get3A_34] : memref<2x10240x128xf32, #tpu.memory_space<vmem>>, vector<1x10000x128xf32>
    %get3A_36 = vector.shape_cast %get3A_35 : vector<1x10000x128xf32> to vector<10000x128xf32>
    %get3A_37 = arith.constant 1 : index
    %get3A_38 = arith.constant 0 : index
    %get3A_39 = arith.constant 0 : index
    %get3A_40 = vector.load %arg2[%get3A_37, %get3A_38, %get3A_39] : memref<2x10240x128xf32, #tpu.memory_space<vmem>>, vector<1x10000x128xf32>
    %get3A_41 = vector.shape_cast %get3A_40 : vector<1x10000x128xf32> to vector<10000x128xf32>
    %add3A_42 = arith.addf %get3A_36, %get3A_41 : vector<10000x128xf32>
    %reshape3A = vector.shape_cast %add3A_42 : vector<10000x128xf32> to vector<625x16x128xf32>
    %get3A_43 = arith.constant 0 : index
    %get3A_44 = arith.constant 0 : index
    %get3A_45 = vector.load %arg0[%get3A_43, %get3A_44] : memref<10000x128xf32, #tpu.memory_space<vmem>>, vector<10000x128xf32>
    %reshape3A_46 = vector.shape_cast %get3A_45 : vector<10000x128xf32> to vector<625x16x128xf32>
    %broadcast_in_dim3A = vector.shape_cast %rsqrt3A : vector<625x16xf32> to vector<625x16x1xf32>
    %mul3A = vector.broadcast %broadcast_in_dim3A : vector<625x16x1xf32> to vector<625x16x128xf32>
    %mul3A_47 = arith.mulf %mul3A, %reshape3A : vector<625x16x128xf32>
    %div3A_48 = arith.constant 2.000000e+00 : f32
    %div3A_49 = vector.broadcast %div3A_48 : f32 to vector<625x16xf32>
    %div3A_50 = arith.divf %div3A_49, %slice3A : vector<625x16xf32>
    %broadcast_in_dim3A_51 = vector.shape_cast %div3A_50 : vector<625x16xf32> to vector<625x16x1xf32>
    %mul3A_52 = vector.broadcast %broadcast_in_dim3A_51 : vector<625x16x1xf32> to vector<625x16x128xf32>
    %mul3A_53 = arith.mulf %mul3A_52, %reshape3A_46 : vector<625x16x128xf32>
    %add3A_54 = arith.addf %mul3A_47, %mul3A_53 : vector<625x16x128xf32>
    %max3A = arith.constant 0.000000e+00 : f32
    %max3A_55 = vector.broadcast %max3A : f32 to vector<625x16x128xf32>
    %max3A_56 = arith.maximumf %add3A_54, %max3A_55 : vector<625x16x128xf32>
    %reshape3A_57 = vector.shape_cast %max3A_56 : vector<625x16x128xf32> to vector<10000x128xf32>
    %swap3A = arith.constant 0 : index
    %swap3A_58 = arith.constant 0 : index
    %swap3A_59 = vector.load %arg3[%swap3A, %swap3A_58] : memref<10000x128xf32, #tpu.memory_space<vmem>>, vector<10000x128xf32>
    tpu.vector_store %arg3[%swap3A, %swap3A_58], %reshape3A_57 {strides = array<i32>} : memref<10000x128xf32, #tpu.memory_space<vmem>>, vector<10000x128xf32>,
    return
  }
}

</mosaic_0001>

<sc_bundles>
// kernel: kernel.6.cloned.1.call-start
scs
__scs_entry_jumppad:
0x0: {  	(pc) =	sbr.rel $0x88, $3  }
0x1: {  	(tag) =	ssettag $0x0;
	lr =	simm.s32 $0x1  }
0x2: {  	[smem:$0x3F9E] =	sst lr;
	_ =	strace $0xD0000000  }
0x3: {  	_ = 	snop  }
0x4: {  	_ = 	snop  }
0x5: {  	_ = 	snop  }
0x6: {  	_ = 	snop  }
0x7: {  	_ = 	snop  }
__scs_overlays_trampoline_lowered:
0x8: {  	[smem:$0x3FAD] =	sst s0  }
0x9: {  	[smem:$0x3FAE] =	sst s1  }
0xa: {  	[smem:$0x3FAF] =	sst s2  }
0xb: {  	[smem:$0x3FB0] =	sst s3  }
0xc: {  	[smem:$0x3FB1] =	sst s4  }
0xd: {  	[smem:$0x3FB2] =	sst s5  }
0xe: {  	[smem:$0x3FB3] =	sst s6  }
0xf: {  	[smem:$0x3FB4] =	sst s7  }
0x10: {  	[smem:$0x3FB5] =	sst s8  }
0x11: {  	[smem:$0x3FB6] =	sst s9;
	s0 =	simm.s32 @!p0 $0x0  }
0x12: {  	s1 =	sld [smem:$0x3F9C];
	s0 =	simm.s32 @p0 $0x1  }
0x13: {  	[smem:$0x3FB7] =	sst s0;
	s0 =	simm.s32 @!p1 $0x0  }
0x14: {  	s2 =	sld [smem:$0x3F9B];
	s0 =	simm.s32 @p1 $0x1  }
0x15: {  	[smem:$0x3FB8] =	sst s0;
	s0 =	simm.s32 @!p2 $0x0  }
0x16: {  	s3 =	sld [smem:$0x3FDB];
	s0 =	simm.s32 @p2 $0x1  }
0x17: {  	s4 =	simm.s32 $0x1BF5;
	[smem:$0x3FBA] =	sst s0  }
0x18: {  	s0 =	sld [smem:$0x3F9D];
	_ =	swait.ge [sflag:s4], $0x0  }
0x19: {  	s7 =	sld [smem:$0x3F9E]  }
0x1a: {  	s8 =	sadd.s32 $0xFFFFE003, lr  }
0x1b: {  	s9 =	sadd.s32 $0xFFFFFEF7, lr;
	s5 =	simm.s32 $0xFFFFFFFF;
	p2 =	slt.u32 s8, $0xFFFFF086  }
0x1c: {  	p1 =	slt.u32 s9, $0xF7A;
	s5 =	simm.s32 @!p2 $0x0  }
0x1d: {  	s5 =	simm.s32 @p1 $0x1;
	p0 =	seq.s32 s7, s2  }
0x1e: {  	s7 =	smul.u32 @!p0 $0xF7A, s2;
	p2 =	seq.s32 @!p0 s5, $0x0  }
0x1f: {  	s9 =	smul.u32 $0xF7A, s1;
	s8 =	simm.s32 @!p0 $0x1BF5;
	p2 =	por !p2, p0  }
0x20: {  	[sflag:s8] =	ssyncset.s32 @!p0 $0xFFFFF086;
	s6 =	sadd.s32 @!p0 s3, s7;
	s7 =	simm.s32 @!p0 $0x108  }
0x21: {  	s3 =	sadd.s32 s3, s9;
	s6 =	sadd.s32 @!p0 $0x88, s6;
	s7 =	simm.s32 @p2 $0x1082  }
0x22: {  	[simem:s7], [sflag:s8] =	dma.local @!p0 [hbm:s6], $0xF7A  }
0x23: {  	s9 =	sor.u32 $0xD0000000, s2;
	s6 =	simm.s32 $0x108;
	_ =	swait.ge @!p0 [sflag:s8], $0x0  }
0x24: {  	s3 =	sadd.s32 $0x88, s3;
	s6 =	simm.s32 @!p1 $0x1082;
	[sflag:s4] =	ssyncset.s32 $0xFFFFF086  }
0x25: {  	[simem:s6], [sflag:s4] =	dma.local [hbm:s3], $0xF7A  }
0x26: {  	[smem:$0x3F9E] =	sst s1;
	(tag) =	ssettag s2;
	_ =	strace s9  }
0x27: {  	s1 =	sld [smem:$0x3FAE]  }
0x28: {  	s2 =	sld [smem:$0x3FAF]  }
0x29: {  	s4 =	sld [smem:$0x3FB1]  }
0x2a: {  	p0 =	seq.s32 s5, $0x0;
	s5 =	sld [smem:$0x3FB2]  }
0x2b: {  	s6 =	sld [smem:$0x3FB3]  }
0x2c: {  	s7 =	sld [smem:$0x3FB4]  }
0x2d: {  	s3 =	simm.s32 $0x108;
	s8 =	sld [smem:$0x3FB5]  }
0x2e: {  	s3 =	simm.s32 @!p0 $0x1082;
	s9 =	sld [smem:$0x3FB6]  }
0x2f: {  	lr =	sadd.s32 s0, s3;
	s0 =	sld [smem:$0x3FAD]  }
0x30: {  	s3 =	sld [smem:$0x3FB0]  }
0x31: {  	[smem:$0x3FB9] =	sst s10  }
0x32: {  	s10 =	sld [smem:$0x3FB7];
	_ =	sdelay $0x3  }
0x33: {  	p0 =	seq.s32 s10, $0x1;
	s10 =	sld [smem:$0x3FB9];
	_ =	sdelay $0x3  }
0x34: {  	[smem:$0x3FB9] =	sst s10  }
0x35: {  	s10 =	sld [smem:$0x3FB8];
	_ =	sdelay $0x3  }
0x36: {  	p1 =	seq.s32 s10, $0x1;
	s10 =	sld [smem:$0x3FB9];
	_ =	sdelay $0x3  }
0x37: {  	[smem:$0x3FB9] =	sst s10  }
0x38: {  	s10 =	sld [smem:$0x3FBA]  }
0x39: {  	_ = 	snop;
	(pc) =	sbr.ind lr, $3  }
0x3a: {  	_ = 	snop  }
0x3b: {  	_ = 	snop  }
0x3c: {  	p2 =	seq.s32 s10, $0x1;
	s10 =	sld [smem:$0x3FB9]  }
0x3d: {  	_ =	shalt  }
0x3e: {  	_ =	shalt  }
0x3f: {  	_ =	shalt  }
0x40: {  	_ =	shalt  }
0x41: {  	_ =	shalt  }
0x42: {  	_ =	shalt  }
0x43: {  	_ =	shalt  }
0x44: {  	_ =	shalt  }
0x45: {  	_ =	shalt  }
0x46: {  	_ =	shalt  }
0x47: {  	_ =	shalt  }
0x48: {  	_ =	shalt  }
0x49: {  	_ =	shalt  }
0x4a: {  	_ =	shalt  }
0x4b: {  	_ =	shalt  }
0x4c: {  	_ =	shalt  }
0x4d: {  	_ =	shalt  }
0x4e: {  	_ =	shalt  }
0x4f: {  	_ =	shalt  }
0x50: {  	_ =	shalt  }
0x51: {  	_ =	shalt  }
0x52: {  	_ =	shalt  }
0x53: {  	_ =	shalt  }
0x54: {  	_ =	shalt  }
0x55: {  	_ =	shalt  }
0x56: {  	_ =	shalt  }
0x57: {  	_ =	shalt  }
0x58: {  	_ =	shalt  }
0x59: {  	_ =	shalt  }
0x5a: {  	_ =	shalt  }
0x5b: {  	_ =	shalt  }
0x5c: {  	_ =	shalt  }
0x5d: {  	_ =	shalt  }
0x5e: {  	_ =	shalt  }
0x5f: {  	_ =	shalt  }
0x60: {  	_ =	shalt  }
0x61: {  	_ =	shalt  }
0x62: {  	_ =	shalt  }
0x63: {  	_ =	shalt  }
0x64: {  	_ =	shalt  }
0x65: {  	_ =	shalt  }
0x66: {  	_ =	shalt  }
0x67: {  	_ =	shalt  }
0x68: {  	_ =	shalt  }
0x69: {  	_ =	shalt  }
0x6a: {  	_ =	shalt  }
0x6b: {  	_ =	shalt  }
0x6c: {  	_ =	shalt  }
0x6d: {  	_ =	shalt  }
0x6e: {  	_ =	shalt  }
0x6f: {  	_ =	shalt  }
0x70: {  	_ =	shalt  }
0x71: {  	_ =	shalt  }
0x72: {  	_ =	shalt  }
0x73: {  	_ =	shalt  }
0x74: {  	_ =	shalt  }
0x75: {  	_ =	shalt  }
0x76: {  	_ =	shalt  }
0x77: {  	_ =	shalt  }
0x78: {  	_ =	shalt  }
0x79: {  	_ =	shalt  }
0x7a: {  	_ =	shalt  }
0x7b: {  	_ =	shalt  }
0x7c: {  	_ =	shalt  }
0x7d: {  	_ =	shalt  }
0x7e: {  	_ =	shalt  }
0x7f: {  	_ =	shalt  }
0x80: {  	_ =	shalt  }
0x81: {  	_ =	shalt  }
0x82: {  	_ =	shalt  }
0x83: {  	_ =	shalt  }
0x84: {  	_ =	shalt  }
0x85: {  	_ =	shalt  }
0x86: {  	_ =	shalt  }
0x87: {  	_ =	shalt  }
.Lfunc_end0:
.L_simem_size_0:
called_computation_lowered:
.L_overlay_start_0:
0x88: {  	s2 =	sld [smem:$0x3FD9]  }
0x89: {  	s3 =	sld [smem:$0x3FFE];
	_ =	sdelay $0x1  }
0x8a: {  	s1 =	srdreg.scid  }
0x8b: {  	s0 =	sand.u32 $0x1, s1  }
0x8c: {  	s17 =	sshll.u32 s0, $0xA;
	s2 =	sadd.s32 s3, s2  }
0x8d: {  	s2 =	sadd.s32 s2, s17  }
0x8e: {  	[smem:$0x3FC5] =	sst s2  }
0x8f: {  	_ = 	snop  }
0x90: {  	s2 =	sld [smem:$0x3FD0];
	(tm) =	ssettm $0x1  }
0x91: {  	s18 =	sld [smem:$0x3FFB];
	_ =	sdelay $0x3  }
0x92: {  	_ =	strace s18  }
0x93: {  	s3 =	sld [smem:$0x3FFC];
	_ =	sdelay $0x3  }
0x94: {  	_ =	strace s3  }
0x95: {  	s3 =	sld [smem:$0x3FFD];
	_ =	sdelay $0x3  }
0x96: {  	_ =	strace s3  }
0x97: {  	_ =	strace $0x8FFFFFFF  }
0x98: {  	s19 =	sld [smem:$0x3FDB];
	_ =	sdelay $0x1  }
0x99: {  	s4 =	simm.s32 $_scs_section_size  }
0x9a: {  	s5 =	simm.s32 $_size__tile_overlayer_lowered;
	s6 =	simm.s32 $_tile_overlayer_lowered  }
0x9b: {  	s22 =	simm.s32 $0x1BFF;
	s21 =	sshll.u32 s6, $0x1;
	s3 =	sadd.s32 s4, s19  }
0x9c: {  	s7 =	simm.s32 $0x0;
	s20 =	sshll.u32 s5, $0x1;
	s5 =	sadd.s32 s21, s3  }
0x9d: {  	[timem:s7], [sflag:s22] =	dma.local [hbm:s5], s20  }
0x9e: {  	_ =	swait.ge [sflag:s22], s20  }
0x9f: {  	s4 =	ssub.s32 $0x0, s20;
	[sflag:s22] =	ssyncset.done $0x0  }
0xa0: {  	[sflag:s22] =	ssyncadd.s32 s4;
	_ =	sdelay $0x1  }
0xa1: {  	s23 =	simm.s32 $0x1B8B  }
0xa2: {  	_ =	swait.ge [sflag:s23], $0x1  }
0xa3: {  	[sflag:s23] =	ssyncset.done $0x0  }
0xa4: {  	s25 =	simm.s32 $0x1B8E;
	s24 =	sld [smem:$0x3FFE];
	[sflag:s23] =	ssyncadd.s32 $0xFFFFFFFF  }
0xa5: {  	s26 =	simm.s32 $execute0_lowered;
	[smem:$0x3FD2] =	sst s25  }
0xa6: {  	s5 =	sshll.u32 s26, $0x1;
	_ =	strace $0x80000046;
	[dreg:$0x1] =	wrdreg $0xFFFFFFFF  }
0xa7: {  	s28 =	simm.s32 $_size_execute0_lowered;
	s3 =	sadd.s32 s3, s5;
	[dreg:$0x0] =	wrdreg $0x0  }
0xa8: {  	s5 =	sshll.u32 s28, $0x1;
	[dreg:$0x2] =	wrdreg s3  }
0xa9: {  	[dreg:$0x3] =	wrdreg s5  }
0xaa: {  	[dreg:$0x4] =	wrdreg $0xC0  }
0xab: {  	_ =	task [dreg:s7], $0x5FFFF  }
0xac: {  	[dreg:$0x1] =	wrdreg $0xFFFFFFFF  }
0xad: {  	[dreg:$0x0] =	wrdreg $0x60  }
0xae: {  	[dreg:$0x2] =	wrdreg s2  }
0xaf: {  	[dreg:$0x3] =	wrdreg s24  }
0xb0: {  	[dreg:$0x4] =	wrdreg $0x9  }
0xb1: {  	_ =	task.clear_ibuf [dreg:s7], $0x5FFFF;
	_ =	strace $0x90000046  }
0xb2: {  	s29 =	simm.s32 $0x9;
	_ =	strace $0x80000048  }
0xb3: {  	_ =	swait.ge [sflag:s29], $0x1  }
0xb4: {  	[sflag:s29] =	ssyncadd.s32 $0xFFFFFFFF  }
0xb5: {  	_ =	strace $0x90000048  }
0xb6: {  	_ =	sfence  }
0xb7: {  	s30 =	sld [smem:$0x0];
	_ =	sdelay $0x2  }
0xb8: {  	s31 =	sshll.u32 s1, $0xD;
	s1 =	sshrl.u32 s1, $0x2  }
0xb9: {  	s3 =	sand.u32 $0x4000, s31;
	s1 =	sadd.s32 s1, s30  }
0xba: {  	s0 =	sor.u32 s3, s0;
	s1 =	sshll.u32 s1, $0x11  }
0xbb: {  	s0 =	sor.u32 s1, s0  }
0xbc: {  	s0 =	sadd.s32 $0x8F2B, s0  }
0xbd: {  	[sflag:s0] =	ssyncadd.remote.s32 $0x1  }
0xbe: {  	_ =	sfence.sel $0xFFFF  }
0xbf: {  	[dreg:$0x0] =	wrdreg $0xFFFFFFFF;
	(pc) =	sbr.abs _section_cstart, $3  }
0xc0: {  	[dreg:$0x1] =	wrdreg $0xFFFFFFFF  }
0xc1: {  	_ =	task.clear_ibuf [dreg:s7], $0x2FFFF;
	_ =	strace $0x9FFFFFFF  }
0xc2: {  	(tm) =	ssettm $0x7FFFFFFF  }
0xc3: {  	_ =	shalt  }
tec
execute0_lowered:
.L_overlay_start_1:
0x0: {  	(tag) =	ssettag $0x1  }
0x1: {  	s0 =	srdreg.scid  }
0x2: {  	s3 =	rddreg [dreg:$0x0];
	s4 =	sand.u32 $0x1, s0  }
0x3: {  	s5 =	rddreg [dreg:$0x1];
	s1 =	stileid.u32;
	s2 =	sshll.u32 s4, $0x4  }
0x4: {  	s0 =	rddreg [dreg:$0x2];
	s6 =	sor.u32 s1, s2  }
0x5: {  	s4 =	ssub.s32 $0x2, s4;
	s2 =	simm.s32 $0x0;
	s7 =	smul.u32 $0x2800, s6  }
0x6: {  	s8 =	sshrl.u32 s4, $0x1;
	[smem:$0x7FF] =	sst s2;
	s6 =	smul.u32 $0x4E2, s6  }
0x7: {  	s31 =	ssub.s32 s4, s8;
	s8 =	simm.s32 $0x0;
	_ =	strace $0x80000047  }
0x8: {  	v0 =	vimm.f32 $0.0e+00;
	v1 =	vlaneseq.u32;
	s5 =	sadd.s32 s7, s5;
	s3 =	sadd.s32 s3, s6;
	s6 =	simm.s32 $0x1  }
0x9: {  	v2 =	vimm.f32 $1.000000000e+00;
	vm0 =	vcmask $0x3F20;
	v1 =	vand.u32 $0x7, v1;
	s7 =	simm.s32 $0x2780;
	s4 =	sadd.s32 $0x1E00, s5;
	s5 =	smax.u32 s31, $0x1  }
.LBB2_1:
0xa: {  	s9 =	simm.s32 $0x40;
	s10 =	simm.s32 $0x0  }
.LBB2_2:
0xb: {  	p0 =	sne.s32 s9, $0x4FFC0;
	[tilespmem:s10+$0x2780] =	vst v0;
	s10 =	smov.u32 s9;
	s9 =	sadd.s32 $0x40, s9  }
.Ltmp0:
0xc: {  	(pc) =	sbr.rel @p0 .LBB2_2-.Ltmp0, $2  }
0xd: {  	_ =	sdelay $0x2  }
0xe: {  	s10 =	sshra.s32 s10, $0x2  }
0xf: {  	[tilespmem:s10+$0x2780] =	vst v0;
	s9 =	simm.s32 $0x0  }
0x10: {  	[tilespmem:s9], [sflag:$0x1] =	stream.linear.gather [hbm4b:s3+s9], $0x2710, $0x38;
	[tilespmem:$0x16780] =	vst v63  }
0x11: {  	_ =	swait.ge [sflag:s6], $0x2710  }
0x12: {  	[sflag:s6] =	ssyncset.done $0x0  }
0x13: {  	s31 =	simm.s32 $0x0;
	[sflag:s6] =	ssyncadd.s32 $0xFFFFD8F0  }
0x14: {  	s9 =	simm.s32 $0x40;
	v3 =	vld [tilespmem:s31+$0x0]  }
.LBB2_4:
0x15: {  	p0 =	sne.s32 s9, $0x9C00;
	_ =	sdelay $0x3  }
0x16: {  	v3 =	vshll.u32 v3, $0x3  }
0x17: {  	v3 =	vor.u32 v1, v3;
	_ =	sdelay $0x2  }
.Ltmp1:
0x18: {  	(pc) =	sbr.rel @p0 .LBB2_4-.Ltmp1, $4  }
0x19: {  	_ = 	snop  }
0x1a: {  	[tilespmem:v3+s7+$0x0] =	vst.idx.add.f32.msk $0xff, v2  }
0x1b: {  	s10 =	sshra.s32 s9, $0x2;
	[tilespmem:v3+s7+$0x0] =	vst.idx.add.f32.msk vm0, v2  }
0x1c: {  	s9 =	sadd.s32 $0x40, s9;
	v3 =	vld [tilespmem:s10+$0x0]  }
0x1d: {  	_ =	sdelay $0x3  }
0x1e: {  	v3 =	vshll.u32 v3, $0x3  }
0x1f: {  	v3 =	vor.u32 v1, v3;
	_ =	sdelay $0x3  }
0x20: {  	s8 =	sadd.s32 $0x1, s8  }
0x21: {  	p0 =	sne.s32 s8, s5;
	[tilespmem:v3+s7+$0x0] =	vst.idx.add.f32.msk $0xff, v2  }
.Ltmp2:
0x22: {  	[tilespmem:v3+s7+$0x0] =	vst.idx.add.f32.msk vm0, v2;
	(pc) =	sbr.rel @p0 .LBB2_1-.Ltmp2, $4  }
0x23: {  	[hbm4b:s4+s2] =	stream.linear.scatter [tilespmem:s7], [sflag:$0x1], $0x14000, $0x38;
	[tilespmem:$0x16780] =	vst v63  }
0x24: {  	_ =	swait.ge [sflag:s6], $0x14000  }
0x25: {  	[sflag:s6] =	ssyncset.done $0x0  }
0x26: {  	[sflag:s6] =	ssyncadd.s32 $0xFFFEC000  }
0x27: {  	_ =	sfence.sel $0x180000  }
0x28: {  	[bflag:$0x0] =	sbarrier.arrive $0xFFFF  }
0x29: {  	p0 =	sne.s32 s1, $0x0;
	_ =	strace $0x90000047  }
0x2a: {  	s0 =	sadd.s32 @!p0 $0x100000, s0;
	[bflag:$0x2] =	sbarrier.arrive $0xFFFF  }
0x2b: {  	[sflag:s0] =	ssyncadd.tile.s32 @!p0 $0x1;
	_ =	shalt  }
.Lfunc_end2:
_tile_overlayer_lowered:
.L_overlay_start_2:
0x2c: {  	(tag) =	ssettag $0x2  }
0x2d: {  	s0 =	rddreg [dreg:$0x0];
	s2 =	stileid.u32  }
0x2e: {  	s1 =	rddreg [dreg:$0x1];
	p0 =	sne.s32 s2, $0x0  }
0x2f: {  	s3 =	rddreg [dreg:$0x2];
	[bflag:$0x3] =	sbarrier.arrive $0xFFFF;
	s2 =	simm.s32 @!p0 $0x1C01  }
0x30: {  	[timem:s3], [sflag:s2] =	dma.local @!p0 [hbm:s0], s1  }
0x31: {  	s0 =	simm.s32 @!p0 $0x1  }
0x32: {  	_ =	swait.ge @!p0 [sflag:s0], s1  }
0x33: {  	s1 =	ssub.s32 @!p0 $0x0, s1;
	[sflag:s0] =	ssyncset.done @!p0 $0x0  }
0x34: {  	[sflag:s0] =	ssyncadd.s32 @!p0 s1  }
0x35: {  	[bflag:$0x3] =	sbarrier.arrive $0xFFFF  }
0x36: {  	_ =	shalt  }

// kernel: kernel.9.cloned.1.call-start
scs
__scs_entry_jumppad:
0x0: {  	(pc) =	sbr.rel $0x88, $3  }
0x1: {  	(tag) =	ssettag $0x0;
	lr =	simm.s32 $0x1  }
0x2: {  	[smem:$0x3F9E] =	sst lr;
	_ =	strace $0xD0000000  }
0x3: {  	_ = 	snop  }
0x4: {  	_ = 	snop  }
0x5: {  	_ = 	snop  }
0x6: {  	_ = 	snop  }
0x7: {  	_ = 	snop  }
__scs_overlays_trampoline_lowered:
0x8: {  	[smem:$0x3FAD] =	sst s0  }
0x9: {  	[smem:$0x3FAE] =	sst s1  }
0xa: {  	[smem:$0x3FAF] =	sst s2  }
0xb: {  	[smem:$0x3FB0] =	sst s3  }
0xc: {  	[smem:$0x3FB1] =	sst s4  }
0xd: {  	[smem:$0x3FB2] =	sst s5  }
0xe: {  	[smem:$0x3FB3] =	sst s6  }
0xf: {  	[smem:$0x3FB4] =	sst s7  }
0x10: {  	[smem:$0x3FB5] =	sst s8  }
0x11: {  	[smem:$0x3FB6] =	sst s9;
	s0 =	simm.s32 @!p0 $0x0  }
0x12: {  	s1 =	sld [smem:$0x3F9C];
	s0 =	simm.s32 @p0 $0x1  }
0x13: {  	[smem:$0x3FB7] =	sst s0;
	s0 =	simm.s32 @!p1 $0x0  }
0x14: {  	s2 =	sld [smem:$0x3F9B];
	s0 =	simm.s32 @p1 $0x1  }
0x15: {  	[smem:$0x3FB8] =	sst s0;
	s0 =	simm.s32 @!p2 $0x0  }
0x16: {  	s3 =	sld [smem:$0x3FDB];
	s0 =	simm.s32 @p2 $0x1  }
0x17: {  	s4 =	simm.s32 $0x1BF5;
	[smem:$0x3FBA] =	sst s0  }
0x18: {  	s0 =	sld [smem:$0x3F9D];
	_ =	swait.ge [sflag:s4], $0x0  }
0x19: {  	s7 =	sld [smem:$0x3F9E]  }
0x1a: {  	s8 =	sadd.s32 $0xFFFFE003, lr  }
0x1b: {  	s9 =	sadd.s32 $0xFFFFFEF7, lr;
	s5 =	simm.s32 $0xFFFFFFFF;
	p2 =	slt.u32 s8, $0xFFFFF086  }
0x1c: {  	p1 =	slt.u32 s9, $0xF7A;
	s5 =	simm.s32 @!p2 $0x0  }
0x1d: {  	s5 =	simm.s32 @p1 $0x1;
	p0 =	seq.s32 s7, s2  }
0x1e: {  	s7 =	smul.u32 @!p0 $0xF7A, s2;
	p2 =	seq.s32 @!p0 s5, $0x0  }
0x1f: {  	s9 =	smul.u32 $0xF7A, s1;
	s8 =	simm.s32 @!p0 $0x1BF5;
	p2 =	por !p2, p0  }
0x20: {  	[sflag:s8] =	ssyncset.s32 @!p0 $0xFFFFF086;
	s6 =	sadd.s32 @!p0 s3, s7;
	s7 =	simm.s32 @!p0 $0x108  }
0x21: {  	s3 =	sadd.s32 s3, s9;
	s6 =	sadd.s32 @!p0 $0x88, s6;
	s7 =	simm.s32 @p2 $0x1082  }
0x22: {  	[simem:s7], [sflag:s8] =	dma.local @!p0 [hbm:s6], $0xF7A  }
0x23: {  	s9 =	sor.u32 $0xD0000000, s2;
	s6 =	simm.s32 $0x108;
	_ =	swait.ge @!p0 [sflag:s8], $0x0  }
0x24: {  	s3 =	sadd.s32 $0x88, s3;
	s6 =	simm.s32 @!p1 $0x1082;
	[sflag:s4] =	ssyncset.s32 $0xFFFFF086  }
0x25: {  	[simem:s6], [sflag:s4] =	dma.local [hbm:s3], $0xF7A  }
0x26: {  	[smem:$0x3F9E] =	sst s1;
	(tag) =	ssettag s2;
	_ =	strace s9  }
0x27: {  	s1 =	sld [smem:$0x3FAE]  }
0x28: {  	s2 =	sld [smem:$0x3FAF]  }
0x29: {  	s4 =	sld [smem:$0x3FB1]  }
0x2a: {  	p0 =	seq.s32 s5, $0x0;
	s5 =	sld [smem:$0x3FB2]  }
0x2b: {  	s6 =	sld [smem:$0x3FB3]  }
0x2c: {  	s7 =	sld [smem:$0x3FB4]  }
0x2d: {  	s3 =	simm.s32 $0x108;
	s8 =	sld [smem:$0x3FB5]  }
0x2e: {  	s3 =	simm.s32 @!p0 $0x1082;
	s9 =	sld [smem:$0x3FB6]  }
0x2f: {  	lr =	sadd.s32 s0, s3;
	s0 =	sld [smem:$0x3FAD]  }
0x30: {  	s3 =	sld [smem:$0x3FB0]  }
0x31: {  	[smem:$0x3FB9] =	sst s10  }
0x32: {  	s10 =	sld [smem:$0x3FB7];
	_ =	sdelay $0x3  }
0x33: {  	p0 =	seq.s32 s10, $0x1;
	s10 =	sld [smem:$0x3FB9];
	_ =	sdelay $0x3  }
0x34: {  	[smem:$0x3FB9] =	sst s10  }
0x35: {  	s10 =	sld [smem:$0x3FB8];
	_ =	sdelay $0x3  }
0x36: {  	p1 =	seq.s32 s10, $0x1;
	s10 =	sld [smem:$0x3FB9];
	_ =	sdelay $0x3  }
0x37: {  	[smem:$0x3FB9] =	sst s10  }
0x38: {  	s10 =	sld [smem:$0x3FBA]  }
0x39: {  	_ = 	snop;
	(pc) =	sbr.ind lr, $3  }
0x3a: {  	_ = 	snop  }
0x3b: {  	_ = 	snop  }
0x3c: {  	p2 =	seq.s32 s10, $0x1;
	s10 =	sld [smem:$0x3FB9]  }
0x3d: {  	_ =	shalt  }
0x3e: {  	_ =	shalt  }
0x3f: {  	_ =	shalt  }
0x40: {  	_ =	shalt  }
0x41: {  	_ =	shalt  }
0x42: {  	_ =	shalt  }
0x43: {  	_ =	shalt  }
0x44: {  	_ =	shalt  }
0x45: {  	_ =	shalt  }
0x46: {  	_ =	shalt  }
0x47: {  	_ =	shalt  }
0x48: {  	_ =	shalt  }
0x49: {  	_ =	shalt  }
0x4a: {  	_ =	shalt  }
0x4b: {  	_ =	shalt  }
0x4c: {  	_ =	shalt  }
0x4d: {  	_ =	shalt  }
0x4e: {  	_ =	shalt  }
0x4f: {  	_ =	shalt  }
0x50: {  	_ =	shalt  }
0x51: {  	_ =	shalt  }
0x52: {  	_ =	shalt  }
0x53: {  	_ =	shalt  }
0x54: {  	_ =	shalt  }
0x55: {  	_ =	shalt  }
0x56: {  	_ =	shalt  }
0x57: {  	_ =	shalt  }
0x58: {  	_ =	shalt  }
0x59: {  	_ =	shalt  }
0x5a: {  	_ =	shalt  }
0x5b: {  	_ =	shalt  }
0x5c: {  	_ =	shalt  }
0x5d: {  	_ =	shalt  }
0x5e: {  	_ =	shalt  }
0x5f: {  	_ =	shalt  }
0x60: {  	_ =	shalt  }
0x61: {  	_ =	shalt  }
0x62: {  	_ =	shalt  }
0x63: {  	_ =	shalt  }
0x64: {  	_ =	shalt  }
0x65: {  	_ =	shalt  }
0x66: {  	_ =	shalt  }
0x67: {  	_ =	shalt  }
0x68: {  	_ =	shalt  }
0x69: {  	_ =	shalt  }
0x6a: {  	_ =	shalt  }
0x6b: {  	_ =	shalt  }
0x6c: {  	_ =	shalt  }
0x6d: {  	_ =	shalt  }
0x6e: {  	_ =	shalt  }
0x6f: {  	_ =	shalt  }
0x70: {  	_ =	shalt  }
0x71: {  	_ =	shalt  }
0x72: {  	_ =	shalt  }
0x73: {  	_ =	shalt  }
0x74: {  	_ =	shalt  }
0x75: {  	_ =	shalt  }
0x76: {  	_ =	shalt  }
0x77: {  	_ =	shalt  }
0x78: {  	_ =	shalt  }
0x79: {  	_ =	shalt  }
0x7a: {  	_ =	shalt  }
0x7b: {  	_ =	shalt  }
0x7c: {  	_ =	shalt  }
0x7d: {  	_ =	shalt  }
0x7e: {  	_ =	shalt  }
0x7f: {  	_ =	shalt  }
0x80: {  	_ =	shalt  }
0x81: {  	_ =	shalt  }
0x82: {  	_ =	shalt  }
0x83: {  	_ =	shalt  }
0x84: {  	_ =	shalt  }
0x85: {  	_ =	shalt  }
0x86: {  	_ =	shalt  }
0x87: {  	_ =	shalt  }
.Lfunc_end0:
.L_simem_size_0:
called_computation.1_lowered:
.L_overlay_start_0:
0x88: {  	s2 =	sld [smem:$0x3FD9]  }
0x89: {  	s3 =	sld [smem:$0x3FFE];
	_ =	sdelay $0x1  }
0x8a: {  	s1 =	srdreg.scid  }
0x8b: {  	s0 =	sand.u32 $0x1, s1  }
0x8c: {  	s17 =	sshll.u32 s0, $0xA;
	s2 =	sadd.s32 s3, s2  }
0x8d: {  	s2 =	sadd.s32 s2, s17  }
0x8e: {  	[smem:$0x3FC5] =	sst s2  }
0x8f: {  	_ = 	snop  }
0x90: {  	s2 =	sld [smem:$0x3FD0];
	(tm) =	ssettm $0x1  }
0x91: {  	s18 =	sld [smem:$0x3FFB];
	_ =	sdelay $0x3  }
0x92: {  	_ =	strace s18  }
0x93: {  	s3 =	sld [smem:$0x3FFC];
	_ =	sdelay $0x3  }
0x94: {  	_ =	strace s3  }
0x95: {  	s3 =	sld [smem:$0x3FFD];
	_ =	sdelay $0x3  }
0x96: {  	_ =	strace s3  }
0x97: {  	_ =	strace $0x8FFFFFFF  }
0x98: {  	s19 =	sld [smem:$0x3FDB];
	_ =	sdelay $0x1  }
0x99: {  	s4 =	simm.s32 $_scs_section_size  }
0x9a: {  	s5 =	simm.s32 $_size__tile_overlayer_lowered;
	s6 =	simm.s32 $_tile_overlayer_lowered  }
0x9b: {  	s22 =	simm.s32 $0x1BFF;
	s21 =	sshll.u32 s6, $0x1;
	s3 =	sadd.s32 s4, s19  }
0x9c: {  	s7 =	simm.s32 $0x0;
	s20 =	sshll.u32 s5, $0x1;
	s5 =	sadd.s32 s21, s3  }
0x9d: {  	[timem:s7], [sflag:s22] =	dma.local [hbm:s5], s20  }
0x9e: {  	_ =	swait.ge [sflag:s22], s20  }
0x9f: {  	s4 =	ssub.s32 $0x0, s20;
	[sflag:s22] =	ssyncset.done $0x0  }
0xa0: {  	[sflag:s22] =	ssyncadd.s32 s4;
	_ =	sdelay $0x1  }
0xa1: {  	s23 =	simm.s32 $0x1B8B  }
0xa2: {  	_ =	swait.ge [sflag:s23], $0x1  }
0xa3: {  	[sflag:s23] =	ssyncset.done $0x0  }
0xa4: {  	s25 =	simm.s32 $0x1B8E;
	s24 =	sld [smem:$0x3FFE];
	[sflag:s23] =	ssyncadd.s32 $0xFFFFFFFF  }
0xa5: {  	s26 =	simm.s32 $execute0_lowered;
	[smem:$0x3FD2] =	sst s25  }
0xa6: {  	s5 =	sshll.u32 s26, $0x1;
	_ =	strace $0x80000049;
	[dreg:$0x1] =	wrdreg $0xFFFFFFFF  }
0xa7: {  	s28 =	simm.s32 $_size_execute0_lowered;
	s3 =	sadd.s32 s3, s5;
	[dreg:$0x0] =	wrdreg $0x0  }
0xa8: {  	s5 =	sshll.u32 s28, $0x1;
	[dreg:$0x2] =	wrdreg s3  }
0xa9: {  	[dreg:$0x3] =	wrdreg s5  }
0xaa: {  	[dreg:$0x4] =	wrdreg $0xC0  }
0xab: {  	_ =	task [dreg:s7], $0x5FFFF  }
0xac: {  	[dreg:$0x1] =	wrdreg $0xFFFFFFFF  }
0xad: {  	[dreg:$0x0] =	wrdreg $0x60  }
0xae: {  	[dreg:$0x2] =	wrdreg s2  }
0xaf: {  	[dreg:$0x3] =	wrdreg s24  }
0xb0: {  	[dreg:$0x4] =	wrdreg $0xAB000  }
0xb1: {  	[dreg:$0x5] =	wrdreg $0x9  }
0xb2: {  	_ =	task.clear_ibuf [dreg:s7], $0x6FFFF;
	_ =	strace $0x90000049  }
0xb3: {  	s29 =	simm.s32 $0x9;
	_ =	strace $0x8000004B  }
0xb4: {  	_ =	swait.ge [sflag:s29], $0x1  }
0xb5: {  	[sflag:s29] =	ssyncadd.s32 $0xFFFFFFFF  }
0xb6: {  	_ =	strace $0x9000004B  }
0xb7: {  	_ =	sfence  }
0xb8: {  	s30 =	sld [smem:$0x0];
	_ =	sdelay $0x2  }
0xb9: {  	s31 =	sshll.u32 s1, $0xD;
	s1 =	sshrl.u32 s1, $0x2  }
0xba: {  	s3 =	sand.u32 $0x4000, s31;
	s1 =	sadd.s32 s1, s30  }
0xbb: {  	s0 =	sor.u32 s3, s0;
	s1 =	sshll.u32 s1, $0x11  }
0xbc: {  	s0 =	sor.u32 s1, s0  }
0xbd: {  	s0 =	sadd.s32 $0x8F2B, s0  }
0xbe: {  	[sflag:s0] =	ssyncadd.remote.s32 $0x1  }
0xbf: {  	_ =	sfence.sel $0xFFFF  }
0xc0: {  	[dreg:$0x0] =	wrdreg $0xFFFFFFFF;
	(pc) =	sbr.abs _section_cstart, $3  }
0xc1: {  	[dreg:$0x1] =	wrdreg $0xFFFFFFFF  }
0xc2: {  	_ =	task.clear_ibuf [dreg:s7], $0x2FFFF;
	_ =	strace $0x9FFFFFFF  }
0xc3: {  	(tm) =	ssettm $0x7FFFFFFF  }
tec
execute0_lowered:
.L_overlay_start_1:
0x0: {  	(tag) =	ssettag $0x1  }
0x1: {  	s1 =	rddreg [dreg:$0x0]  }
0x2: {  	s0 =	rddreg [dreg:$0x1]  }
0x3: {  	s2 =	rddreg [dreg:$0x2];
	s20 =	stileid.u32  }
0x4: {  	s3 =	srdreg.scid;
	s4 =	simm.s32 $0x0;
	s10 =	smul.u32 $0x14000, s20  }
0x5: {  	s3 =	sand.u32 $0x1, s3;
	[smem:$0x7FF] =	sst s4;
	s19 =	smul.u32 $0x2760, s20  }
0x6: {  	s5 =	sshll.u32 s3, $0x4;
	_ =	strace $0x8000004A;
	s7 =	ssub.s32 $0x2, s3  }
0x7: {  	s6 =	sor.u32 s20, s5;
	s5 =	sadd.s32 $0x51E00, s0;
	s9 =	sshrl.u32 s7, $0x1  }
0x8: {  	s11 =	sor.u32 $0x2800, s10;
	s12 =	sadd.s32 $0x5000, s10;
	s13 =	sadd.s32 $0x7800, s10  }
0x9: {  	s14 =	sadd.s32 $0xA000, s10;
	s15 =	sadd.s32 $0xC800, s10;
	s16 =	sadd.s32 $0xF000, s10  }
0xa: {  	s8 =	smul.u32 $0x2760, s6;
	s6 =	sadd.s32 $0x5BC00, s0;
	s0 =	sadd.s32 $0x65A00, s0  }
0xb: {  	s7 =	ssub.s32 s7, s9;
	s9 =	smul.u32 $0x140000, s3;
	s29 =	sadd.s32 s11, s2  }
0xc: {  	s3 =	smul.u32 $0x27600, s3;
	s30 =	sadd.s32 s12, s2;
	[dreg:$0x17] =	wrdreg s29  }
0xd: {  	[dreg:$0x18] =	wrdreg s30;
	s8 =	sshrl.u32 s8, $0x3;
	s17 =	sadd.s32 s9, s10  }
0xe: {  	s18 =	sadd.s32 s9, s11;
	s10 =	sadd.s32 $0x11800, s10;
	s26 =	sadd.s32 s9, s12  }
0xf: {  	s3 =	sadd.s32 s19, s3;
	s31 =	sadd.s32 s9, s13;
	s11 =	simm.s32 $0x280  }
0x10: {  	s12 =	simm.s32 $0x7;
	s17 =	sshrl.u32 s17, $0x3;
	s25 =	sshrl.u32 s18, $0x3  }
0x11: {  	s19 =	sadd.s32 $0x230, s3;
	s21 =	sshrl.u32 s31, $0x3;
	s24 =	sadd.s32 $0x1C0, s3  }
0x12: {  	s31 =	sadd.s32 s9, s14;
	s18 =	sadd.s32 s6, s8;
	s17 =	sadd.s32 s0, s17  }
0x13: {  	s22 =	sshrl.u32 s19, $0x3;
	s19 =	sshrl.u32 s31, $0x3;
	[dreg:$0x12] =	wrdreg s18  }
0x14: {  	s18 =	simm.s32 $0x1;
	[dreg:$0x8] =	wrdreg s17;
	s17 =	sadd.s32 s0, s25  }
0x15: {  	s23 =	sadd.s32 s22, s5;
	s25 =	sadd.s32 s22, s6;
	[dreg:$0x9] =	wrdreg s17  }
0x16: {  	s22 =	sadd.s32 s9, s15;
	s19 =	sadd.s32 s0, s19;
	[dreg:$0x4] =	wrdreg s23  }
0x17: {  	s17 =	sshrl.u32 s26, $0x3;
	s26 =	sshrl.u32 s24, $0x3;
	[dreg:$0x5] =	wrdreg s25  }
0x18: {  	[dreg:$0xc] =	wrdreg s19;
	s23 =	sadd.s32 s9, s16;
	s19 =	sadd.s32 s5, s8  }
0x19: {  	s9 =	sadd.s32 s9, s10;
	s17 =	sadd.s32 s0, s17;
	[dreg:$0x13] =	wrdreg s19  }
0x1a: {  	s24 =	sshrl.u32 s23, $0x3;
	s25 =	sadd.s32 s26, s6;
	[dreg:$0xa] =	wrdreg s17  }
0x1b: {  	s9 =	sshrl.u32 s9, $0x3;
	s23 =	sadd.s32 s14, s2;
	[dreg:$0x7] =	wrdreg s25  }
0x1c: {  	s14 =	simm.s32 $0x8;
	s17 =	sadd.s32 s0, s21;
	[dreg:$0x1a] =	wrdreg s23  }
0x1d: {  	s19 =	simm.s32 $0x2;
	s21 =	sadd.s32 s26, s5;
	[dreg:$0xb] =	wrdreg s17  }
0x1e: {  	s26 =	sadd.s32 $0xE, s8;
	s25 =	sadd.s32 s16, s2;
	[dreg:$0x6] =	wrdreg s21  }
0x1f: {  	s8 =	sadd.s32 $0x1C, s8;
	s31 =	sadd.s32 s6, s26;
	[dreg:$0x1c] =	wrdreg s25  }
0x20: {  	s16 =	simm.s32 $0x9;
	s21 =	smax.u32 s7, $0x1;
	[dreg:$0x10] =	wrdreg s31  }
0x21: {  	s17 =	sshrl.u32 s22, $0x3;
	s22 =	sadd.s32 s13, s2;
	[dreg:$0x16] =	wrdreg s21  }
0x22: {  	s23 =	simm.s32 $0x6;
	s17 =	sadd.s32 s0, s17;
	[dreg:$0x19] =	wrdreg s22  }
0x23: {  	s7 =	simm.s32 $0x180;
	s31 =	sadd.s32 $0x150, s3;
	[dreg:$0xd] =	wrdreg s17  }
0x24: {  	s13 =	simm.s32 $0x70;
	s17 =	sadd.s32 s0, s24;
	[dreg:$0x1e] =	wrdreg s31  }
0x25: {  	s3 =	simm.s32 $0xA;
	s0 =	sadd.s32 s0, s9;
	[dreg:$0xe] =	wrdreg s17  }
0x26: {  	s22 =	simm.s32 $0x4;
	s24 =	sadd.s32 s15, s2;
	[dreg:$0xf] =	wrdreg s0  }
0x27: {  	s21 =	simm.s32 $0x5;
	s0 =	sadd.s32 s5, s26;
	[dreg:$0x1b] =	wrdreg s24  }
0x28: {  	s17 =	smul.u32 $0x50000, s20;
	s20 =	sadd.s32 s6, s8;
	[dreg:$0x11] =	wrdreg s0  }
0x29: {  	s9 =	simm.s32 $0x200;
	s8 =	sadd.s32 s5, s8;
	[dreg:$0x14] =	wrdreg s20  }
0x2a: {  	s15 =	simm.s32 $0x3B00;
	s26 =	sadd.s32 s10, s2;
	[dreg:$0x15] =	wrdreg s8  }
0x2b: {  	s10 =	simm.s32 $0x100;
	s24 =	simm.s32 $0x0;
	[dreg:$0x1d] =	wrdreg s26  }
0x2c: {  	s8 =	simm.s32 $0x80;
	s20 =	simm.s32 $0x3;
	s0 =	sshrl.u32 s17, $0x2  }
0x2d: {  	v0 =	vimm.f32 $0.0e+00;
	s17 =	simm.s32 $0x7300;
	s28 =	sadd.s32 s0, s2;
	s0 =	simm.s32 $0x300  }
.LBB2_1:
0x2e: {  	s25 =	simm.s32 $0x70;
	s26 =	simm.s32 $0x3C0  }
.LBB2_2:
0x2f: {  	p0 =	sne.s32 s26, $0x9FC0;
	[tilespmem:s25+$0x300] =	vst v0  }
0x30: {  	[tilespmem:s25+$0x290] =	vst v0  }
0x31: {  	[tilespmem:s25+$0x2A0] =	vst v0  }
.Ltmp0:
0x32: {  	[tilespmem:s25+$0x2B0] =	vst v0;
	(pc) =	sbr.rel @p0 .LBB2_2-.Ltmp0, $4  }
0x33: {  	[tilespmem:s25+$0x2C0] =	vst v0  }
0x34: {  	[tilespmem:s25+$0x2D0] =	vst v0  }
0x35: {  	[tilespmem:s25+$0x2E0] =	vst v0  }
0x36: {  	[tilespmem:s25+$0x2F0] =	vst v0;
	s25 =	sshra.s32 s26, $0x2;
	s26 =	sadd.s32 $0x200, s26  }
0x37: {  	[tilespmem:s25+$0x300] =	vst v0  }
0x38: {  	[tilespmem:s25+$0x290] =	vst v0  }
0x39: {  	[tilespmem:s25+$0x2A0] =	vst v0  }
0x3a: {  	[tilespmem:s25+$0x2B0] =	vst v0  }
0x3b: {  	[tilespmem:s25+$0x2C0] =	vst v0  }
0x3c: {  	[tilespmem:s25+$0x2D0] =	vst v0  }
0x3d: {  	[tilespmem:s25+$0x2E0] =	vst v0  }
0x3e: {  	[tilespmem:s25+$0x2F0] =	vst v0  }
0x3f: {  	[spmem:s28] =	stream.linear.scatter [tilespmem:s0], [sflag:$0xA], $0x2800, $0x38;
	[tilespmem:$0x1EB00] =	vst v63  }
0x40: {  	_ =	swait.ge [sflag:s3], $0x2800  }
0x41: {  	[sflag:s3] =	ssyncset.done $0x0  }
0x42: {  	[sflag:s3] =	ssyncadd.s32 $0xFFFFD800  }
0x43: {  	[spmem:s29] =	stream.linear.scatter [tilespmem:s0], [sflag:$0xA], $0x2800, $0x38;
	[tilespmem:$0x1EB00] =	vst v63  }
0x44: {  	_ =	swait.ge [sflag:s3], $0x2800  }
0x45: {  	[sflag:s3] =	ssyncset.done $0x0  }
0x46: {  	[sflag:s3] =	ssyncadd.s32 $0xFFFFD800  }
0x47: {  	[spmem:s30] =	stream.linear.scatter [tilespmem:s0], [sflag:$0xA], $0x2800, $0x38;
	[tilespmem:$0x1EB00] =	vst v63  }
0x48: {  	_ =	swait.ge [sflag:s3], $0x2800  }
0x49: {  	[sflag:s3] =	ssyncset.done $0x0  }
0x4a: {  	s29 =	rddreg [dreg:$0x19];
	[sflag:s3] =	ssyncadd.s32 $0xFFFFD800  }
0x4b: {  	[spmem:s29] =	stream.linear.scatter [tilespmem:s0], [sflag:$0xA], $0x2800, $0x38;
	[tilespmem:$0x1EB00] =	vst v63  }
0x4c: {  	_ =	swait.ge [sflag:s3], $0x2800  }
0x4d: {  	[sflag:s3] =	ssyncset.done $0x0  }
0x4e: {  	s30 =	rddreg [dreg:$0x1a];
	[sflag:s3] =	ssyncadd.s32 $0xFFFFD800  }
0x4f: {  	[spmem:s30] =	stream.linear.scatter [tilespmem:s0], [sflag:$0xA], $0x2800, $0x38;
	[tilespmem:$0x1EB00] =	vst v63  }
0x50: {  	_ =	swait.ge [sflag:s3], $0x2800  }
0x51: {  	[sflag:s3] =	ssyncset.done $0x0  }
0x52: {  	s26 =	rddreg [dreg:$0x1b];
	[sflag:s3] =	ssyncadd.s32 $0xFFFFD800  }
0x53: {  	[spmem:s26] =	stream.linear.scatter [tilespmem:s0], [sflag:$0xA], $0x2800, $0x38;
	[tilespmem:$0x1EB00] =	vst v63  }
0x54: {  	_ =	swait.ge [sflag:s3], $0x2800  }
0x55: {  	[sflag:s3] =	ssyncset.done $0x0  }
0x56: {  	s31 =	smov.u32 s28;
	s28 =	rddreg [dreg:$0x1c];
	[sflag:s3] =	ssyncadd.s32 $0xFFFFD800  }
0x57: {  	[spmem:s28] =	stream.linear.scatter [tilespmem:s0], [sflag:$0xA], $0x2800, $0x38;
	[tilespmem:$0x1EB00] =	vst v63  }
0x58: {  	_ =	swait.ge [sflag:s3], $0x2800  }
0x59: {  	[sflag:s3] =	ssyncset.done $0x0  }
0x5a: {  	s29 =	rddreg [dreg:$0x1d];
	[sflag:s3] =	ssyncadd.s32 $0xFFFFD800  }
0x5b: {  	[spmem:s29] =	stream.linear.scatter [tilespmem:s0], [sflag:$0xA], $0x2800, $0x38;
	[tilespmem:$0x1EB00] =	vst v63  }
0x5c: {  	_ =	swait.ge [sflag:s3], $0x2800  }
0x5d: {  	[sflag:s3] =	ssyncset.done $0x0  }
0x5e: {  	s25 =	simm.s32 $0x0;
	s26 =	rddreg [dreg:$0x12];
	[sflag:s3] =	ssyncadd.s32 $0xFFFFD800  }
0x5f: {  	[tilespmem:s25], [sflag:$0x7] =	stream.linear.gather [hbm4b:s26+s25], $0x70, $0x38;
	[tilespmem:$0x1EB00] =	vst v63  }
0x60: {  	s30 =	rddreg [dreg:$0x13]  }
0x61: {  	[tilespmem:s7], [sflag:$0x7] =	stream.linear.gather [hbm4b:s30+s25], $0x70, $0x38;
	[tilespmem:$0x1EB00] =	vst v63  }
0x62: {  	s28 =	rddreg [dreg:$0x10]  }
0x63: {  	[tilespmem:s8], [sflag:$0x8] =	stream.linear.gather [hbm4b:s28+s25], $0x70, $0x38;
	[tilespmem:$0x1EB00] =	vst v63  }
0x64: {  	s29 =	rddreg [dreg:$0x11]  }
0x65: {  	[tilespmem:s9], [sflag:$0x8] =	stream.linear.gather [hbm4b:s29+s25], $0x70, $0x38;
	[tilespmem:$0x1EB00] =	vst v63  }
0x66: {  	s30 =	rddreg [dreg:$0x14]  }
0x67: {  	[tilespmem:s10], [sflag:$0x9] =	stream.linear.gather [hbm4b:s30+s25], $0x70, $0x38;
	[tilespmem:$0x1EB00] =	vst v63  }
0x68: {  	s28 =	rddreg [dreg:$0x15]  }
0x69: {  	[tilespmem:s11], [sflag:$0x9] =	stream.linear.gather [hbm4b:s28+s25], $0x70, $0x38;
	[tilespmem:$0x1EB00] =	vst v63  }
0x6a: {  	_ =	swait.ge [sflag:s12], $0x70  }
0x6b: {  	[sflag:s12] =	ssyncset.done $0x0  }
0x6c: {  	[sflag:s12] =	ssyncadd.s32 $0xFFFFFF90  }
0x6d: {  	_ =	swait.ge [sflag:s12], $0x70  }
0x6e: {  	[sflag:s12] =	ssyncset.done $0x0  }
0x6f: {  	[sflag:s12] =	ssyncadd.s32 $0xFFFFFF90  }
0x70: {  	[tilespmem:s0], [sflag:$0x1] =	stream.indirect.gather [hbm4b:s1+s13], $0x80, s25, s13, $0xb8;
	[tilespmem:$0x1EB00] =	vst v63  }
0x71: {  	_ =	swait.ge [sflag:s14], $0x70  }
0x72: {  	[sflag:s14] =	ssyncset.done $0x0  }
0x73: {  	[sflag:s14] =	ssyncadd.s32 $0xFFFFFF90  }
0x74: {  	_ =	swait.ge [sflag:s14], $0x70  }
0x75: {  	[sflag:s14] =	ssyncset.done $0x0  }
0x76: {  	[sflag:s14] =	ssyncadd.s32 $0xFFFFFF90  }
0x77: {  	[tilespmem:s15], [sflag:$0x2] =	stream.indirect.gather [hbm4b:s1+s13], $0x80, s8, s13, $0xb8;
	[tilespmem:$0x1EB00] =	vst v63  }
0x78: {  	_ =	swait.ge [sflag:s16], $0x70  }
0x79: {  	[sflag:s16] =	ssyncset.done $0x0  }
0x7a: {  	[sflag:s16] =	ssyncadd.s32 $0xFFFFFF90  }
0x7b: {  	_ =	swait.ge [sflag:s16], $0x70  }
0x7c: {  	[sflag:s16] =	ssyncset.done $0x0  }
0x7d: {  	[sflag:s16] =	ssyncadd.s32 $0xFFFFFF90  }
0x7e: {  	[tilespmem:s17], [sflag:$0x3] =	stream.indirect.gather [hbm4b:s1+s13], $0x80, s10, s13, $0xb8;
	[tilespmem:$0x1EB00] =	vst v63  }
0x7f: {  	[bflag:$0x0] =	sbarrier.arrive $0xFFFF  }
0x80: {  	_ =	swait.ge [sflag:s18], $0x3800  }
0x81: {  	[sflag:s18] =	ssyncset.done $0x0  }
0x82: {  	[sflag:s18] =	ssyncadd.s32 $0xFFFFC800  }
0x83: {  	[spmem:s2] =	stream.indirect.scatter.add.f32 [tilespmem:s0], [sflag:$0x4], $0x80, s7, s13, $0xb8;
	[tilespmem:$0x1EB00] =	vst v63  }
0x84: {  	_ =	swait.ge [sflag:s19], $0x3800  }
0x85: {  	[sflag:s19] =	ssyncset.done $0x0  }
0x86: {  	[sflag:s19] =	ssyncadd.s32 $0xFFFFC800  }
0x87: {  	[spmem:s2] =	stream.indirect.scatter.add.f32 [tilespmem:s15], [sflag:$0x5], $0x80, s9, s13, $0xb8;
	[tilespmem:$0x1EB00] =	vst v63  }
0x88: {  	_ =	swait.ge [sflag:s20], $0x3800  }
0x89: {  	[sflag:s20] =	ssyncset.done $0x0  }
0x8a: {  	[sflag:s20] =	ssyncadd.s32 $0xFFFFC800  }
0x8b: {  	[spmem:s2] =	stream.indirect.scatter.add.f32 [tilespmem:s17], [sflag:$0x6], $0x80, s11, s13, $0xb8;
	[tilespmem:$0x1EB00] =	vst v63  }
0x8c: {  	_ =	swait.ge [sflag:s22], $0x3800  }
0x8d: {  	s28 =	rddreg [dreg:$0x1e]  }
0x8e: {  	[sflag:s22] =	ssyncset.done $0x0;
	s29 =	sshrl.u32 s28, $0x3  }
0x8f: {  	[sflag:s22] =	ssyncadd.s32 $0xFFFFC800;
	s30 =	sadd.s32 s6, s29  }
0x90: {  	[tilespmem:s4], [sflag:$0x7] =	stream.linear.gather [hbm4b:s30+s4], $0x70, $0x38;
	[tilespmem:$0x1EB00] =	vst v63  }
0x91: {  	s25 =	sadd.s32 s5, s29  }
0x92: {  	[tilespmem:s7], [sflag:$0x7] =	stream.linear.gather [hbm4b:s25+s4], $0x70, $0x38;
	[tilespmem:$0x1EB00] =	vst v63  }
0x93: {  	_ =	swait.ge [sflag:s21], $0x3800  }
0x94: {  	s26 =	rddreg [dreg:$0x7];
	[sflag:s21] =	ssyncset.done $0x0  }
0x95: {  	s29 =	rddreg [dreg:$0x6];
	[sflag:s21] =	ssyncadd.s32 $0xFFFFC800;
	s25 =	sadd.s32 $0x0, s26  }
0x96: {  	[tilespmem:s8], [sflag:$0x8] =	stream.linear.gather [hbm4b:s25+s4], $0x70, $0x38;
	[tilespmem:$0x1EB00] =	vst v63  }
0x97: {  	s30 =	sadd.s32 $0x0, s29  }
0x98: {  	[tilespmem:s9], [sflag:$0x8] =	stream.linear.gather [hbm4b:s30+s4], $0x70, $0x38;
	[tilespmem:$0x1EB00] =	vst v63  }
0x99: {  	_ =	swait.ge [sflag:s23], $0x3800  }
0x9a: {  	s26 =	rddreg [dreg:$0x5];
	[sflag:s23] =	ssyncset.done $0x0  }
0x9b: {  	s29 =	rddreg [dreg:$0x4];
	[sflag:s23] =	ssyncadd.s32 $0xFFFFC800;
	s25 =	sadd.s32 $0x0, s26  }
0x9c: {  	[tilespmem:s10], [sflag:$0x9] =	stream.linear.gather [hbm4b:s25+s4], $0x70, $0x38;
	[tilespmem:$0x1EB00] =	vst v63  }
0x9d: {  	s30 =	sadd.s32 $0x0, s29  }
0x9e: {  	[tilespmem:s11], [sflag:$0x9] =	stream.linear.gather [hbm4b:s30+s4], $0x70, $0x38;
	[tilespmem:$0x1EB00] =	vst v63  }
0x9f: {  	_ =	swait.ge [sflag:s12], $0x70  }
0xa0: {  	[sflag:s12] =	ssyncset.done $0x0  }
0xa1: {  	[sflag:s12] =	ssyncadd.s32 $0xFFFFFF90  }
0xa2: {  	_ =	swait.ge [sflag:s12], $0x70  }
0xa3: {  	[sflag:s12] =	ssyncset.done $0x0  }
0xa4: {  	[sflag:s12] =	ssyncadd.s32 $0xFFFFFF90  }
0xa5: {  	[tilespmem:s0], [sflag:$0x1] =	stream.indirect.gather [hbm4b:s1+s13], $0x80, s4, s13, $0xb8;
	[tilespmem:$0x1EB00] =	vst v63  }
0xa6: {  	_ =	swait.ge [sflag:s14], $0x70  }
0xa7: {  	[sflag:s14] =	ssyncset.done $0x0  }
0xa8: {  	[sflag:s14] =	ssyncadd.s32 $0xFFFFFF90  }
0xa9: {  	_ =	swait.ge [sflag:s14], $0x70  }
0xaa: {  	[sflag:s14] =	ssyncset.done $0x0  }
0xab: {  	[sflag:s14] =	ssyncadd.s32 $0xFFFFFF90  }
0xac: {  	[tilespmem:s15], [sflag:$0x2] =	stream.indirect.gather [hbm4b:s1+s13], $0x80, s8, s13, $0xb8;
	[tilespmem:$0x1EB00] =	vst v63  }
0xad: {  	_ =	swait.ge [sflag:s16], $0x70  }
0xae: {  	[sflag:s16] =	ssyncset.done $0x0  }
0xaf: {  	[sflag:s16] =	ssyncadd.s32 $0xFFFFFF90  }
0xb0: {  	_ =	swait.ge [sflag:s16], $0x70  }
0xb1: {  	[sflag:s16] =	ssyncset.done $0x0  }
0xb2: {  	s26 =	sadd.s32 $0x150, s28;
	s25 =	simm.s32 $0x2A;
	[sflag:s16] =	ssyncadd.s32 $0xFFFFFF90  }
.LBB2_4:
0xb3: {  	[tilespmem:s17], [sflag:$0x3] =	stream.indirect.gather [hbm4b:s1+s13], $0x80, s10, s13, $0xb8;
	[tilespmem:$0x1EB00] =	vst v63  }
0xb4: {  	_ =	swait.ge [sflag:s18], $0x3800  }
0xb5: {  	[sflag:s18] =	ssyncset.done $0x0  }
0xb6: {  	[sflag:s18] =	ssyncadd.s32 $0xFFFFC800  }
0xb7: {  	[spmem:s2] =	stream.indirect.scatter.add.f32 [tilespmem:s0], [sflag:$0x4], $0x80, s7, s13, $0xb8;
	[tilespmem:$0x1EB00] =	vst v63  }
0xb8: {  	_ =	swait.ge [sflag:s19], $0x3800  }
0xb9: {  	[sflag:s19] =	ssyncset.done $0x0  }
0xba: {  	[sflag:s19] =	ssyncadd.s32 $0xFFFFC800  }
0xbb: {  	[spmem:s2] =	stream.indirect.scatter.add.f32 [tilespmem:s15], [sflag:$0x5], $0x80, s9, s13, $0xb8;
	[tilespmem:$0x1EB00] =	vst v63  }
0xbc: {  	_ =	swait.ge [sflag:s20], $0x3800  }
0xbd: {  	[sflag:s20] =	ssyncset.done $0x0  }
0xbe: {  	[sflag:s20] =	ssyncadd.s32 $0xFFFFC800  }
0xbf: {  	[spmem:s2] =	stream.indirect.scatter.add.f32 [tilespmem:s17], [sflag:$0x6], $0x80, s11, s13, $0xb8;
	[tilespmem:$0x1EB00] =	vst v63  }
0xc0: {  	_ =	swait.ge [sflag:s22], $0x3800  }
0xc1: {  	s29 =	sshrl.u32 s26, $0x3;
	[sflag:s22] =	ssyncset.done $0x0  }
0xc2: {  	s30 =	sadd.s32 s6, s29;
	[sflag:s22] =	ssyncadd.s32 $0xFFFFC800  }
0xc3: {  	[tilespmem:s4], [sflag:$0x7] =	stream.linear.gather [hbm4b:s30+s4], $0x70, $0x38;
	[tilespmem:$0x1EB00] =	vst v63  }
0xc4: {  	s29 =	sadd.s32 s5, s29  }
0xc5: {  	[tilespmem:s7], [sflag:$0x7] =	stream.linear.gather [hbm4b:s29+s4], $0x70, $0x38;
	[tilespmem:$0x1EB00] =	vst v63  }
0xc6: {  	_ =	swait.ge [sflag:s21], $0x3800  }
0xc7: {  	s28 =	smov.u32 s25;
	s29 =	rddreg [dreg:$0x7];
	[sflag:s21] =	ssyncset.done $0x0  }
0xc8: {  	s30 =	rddreg [dreg:$0x6];
	[sflag:s21] =	ssyncadd.s32 $0xFFFFC800;
	s29 =	sadd.s32 s28, s29  }
0xc9: {  	[tilespmem:s8], [sflag:$0x8] =	stream.linear.gather [hbm4b:s29+s4], $0x70, $0x38;
	[tilespmem:$0x1EB00] =	vst v63  }
0xca: {  	s30 =	sadd.s32 s28, s30  }
0xcb: {  	[tilespmem:s9], [sflag:$0x8] =	stream.linear.gather [hbm4b:s30+s4], $0x70, $0x38;
	[tilespmem:$0x1EB00] =	vst v63  }
0xcc: {  	_ =	swait.ge [sflag:s23], $0x3800  }
0xcd: {  	s29 =	rddreg [dreg:$0x5];
	[sflag:s23] =	ssyncset.done $0x0  }
0xce: {  	s30 =	rddreg [dreg:$0x4];
	[sflag:s23] =	ssyncadd.s32 $0xFFFFC800;
	s29 =	sadd.s32 s28, s29  }
0xcf: {  	[tilespmem:s10], [sflag:$0x9] =	stream.linear.gather [hbm4b:s29+s4], $0x70, $0x38;
	[tilespmem:$0x1EB00] =	vst v63  }
0xd0: {  	s28 =	sadd.s32 s28, s30  }
0xd1: {  	[tilespmem:s11], [sflag:$0x9] =	stream.linear.gather [hbm4b:s28+s4], $0x70, $0x38;
	[tilespmem:$0x1EB00] =	vst v63  }
0xd2: {  	_ =	swait.ge [sflag:s12], $0x70  }
0xd3: {  	[sflag:s12] =	ssyncset.done $0x0  }
0xd4: {  	[sflag:s12] =	ssyncadd.s32 $0xFFFFFF90  }
0xd5: {  	_ =	swait.ge [sflag:s12], $0x70  }
0xd6: {  	[sflag:s12] =	ssyncset.done $0x0  }
0xd7: {  	[sflag:s12] =	ssyncadd.s32 $0xFFFFFF90  }
0xd8: {  	[tilespmem:s0], [sflag:$0x1] =	stream.indirect.gather [hbm4b:s1+s13], $0x80, s4, s13, $0xb8;
	[tilespmem:$0x1EB00] =	vst v63  }
0xd9: {  	_ =	swait.ge [sflag:s14], $0x70  }
0xda: {  	[sflag:s14] =	ssyncset.done $0x0  }
0xdb: {  	[sflag:s14] =	ssyncadd.s32 $0xFFFFFF90  }
0xdc: {  	_ =	swait.ge [sflag:s14], $0x70  }
0xdd: {  	[sflag:s14] =	ssyncset.done $0x0  }
0xde: {  	[sflag:s14] =	ssyncadd.s32 $0xFFFFFF90  }
0xdf: {  	[tilespmem:s15], [sflag:$0x2] =	stream.indirect.gather [hbm4b:s1+s13], $0x80, s8, s13, $0xb8;
	[tilespmem:$0x1EB00] =	vst v63  }
0xe0: {  	p0 =	sne.s32 s25, $0x498;
	_ =	swait.ge [sflag:s16], $0x70  }
.Ltmp1:
0xe1: {  	[sflag:s16] =	ssyncset.done $0x0;
	(pc) =	sbr.rel @p0 .LBB2_4-.Ltmp1, $4  }
0xe2: {  	[sflag:s16] =	ssyncadd.s32 $0xFFFFFF90  }
0xe3: {  	_ =	swait.ge [sflag:s16], $0x70  }
0xe4: {  	[sflag:s16] =	ssyncset.done $0x0  }
0xe5: {  	s25 =	sadd.s32 $0x2A, s25;
	s26 =	sadd.s32 $0x150, s26;
	[sflag:s16] =	ssyncadd.s32 $0xFFFFFF90  }
0xe6: {  	[tilespmem:s17], [sflag:$0x3] =	stream.indirect.gather [hbm4b:s1+s13], $0x80, s10, s13, $0xb8;
	[tilespmem:$0x1EB00] =	vst v63  }
0xe7: {  	_ =	swait.ge [sflag:s18], $0x3800  }
0xe8: {  	[sflag:s18] =	ssyncset.done $0x0  }
0xe9: {  	[sflag:s18] =	ssyncadd.s32 $0xFFFFC800  }
0xea: {  	[spmem:s2] =	stream.indirect.scatter.add.f32 [tilespmem:s0], [sflag:$0x4], $0x80, s7, s13, $0xb8;
	[tilespmem:$0x1EB00] =	vst v63  }
0xeb: {  	_ =	swait.ge [sflag:s19], $0x3800  }
0xec: {  	[sflag:s19] =	ssyncset.done $0x0  }
0xed: {  	[sflag:s19] =	ssyncadd.s32 $0xFFFFC800  }
0xee: {  	[spmem:s2] =	stream.indirect.scatter.add.f32 [tilespmem:s15], [sflag:$0x5], $0x80, s9, s13, $0xb8;
	[tilespmem:$0x1EB00] =	vst v63  }
0xef: {  	_ =	swait.ge [sflag:s20], $0x3800  }
0xf0: {  	[sflag:s20] =	ssyncset.done $0x0  }
0xf1: {  	[sflag:s20] =	ssyncadd.s32 $0xFFFFC800  }
0xf2: {  	[spmem:s2] =	stream.indirect.scatter.add.f32 [tilespmem:s17], [sflag:$0x6], $0x80, s11, s13, $0xb8;
	[tilespmem:$0x1EB00] =	vst v63  }
0xf3: {  	_ =	swait.ge [sflag:s22], $0x3800  }
0xf4: {  	[sflag:s22] =	ssyncset.done $0x0  }
0xf5: {  	[sflag:s22] =	ssyncadd.s32 $0xFFFFC800  }
0xf6: {  	_ =	swait.ge [sflag:s21], $0x3800  }
0xf7: {  	[sflag:s21] =	ssyncset.done $0x0  }
0xf8: {  	[sflag:s21] =	ssyncadd.s32 $0xFFFFC800  }
0xf9: {  	_ =	swait.ge [sflag:s23], $0x3800  }
0xfa: {  	[sflag:s23] =	ssyncset.done $0x0  }
0xfb: {  	[sflag:s23] =	ssyncadd.s32 $0xFFFFC800  }
0xfc: {  	[bflag:$0x0] =	sbarrier.arrive $0xFFFF  }
0xfd: {  	[tilespmem:s0], [sflag:$0xA] =	stream.linear.gather [spmem:s31], $0x2800, $0x38;
	[tilespmem:$0x1EB00] =	vst v63  }
0xfe: {  	_ =	swait.ge [sflag:s3], $0x2800  }
0xff: {  	[sflag:s3] =	ssyncset.done $0x0  }
0x100: {  	s25 =	rddreg [dreg:$0x8];
	[sflag:s3] =	ssyncadd.s32 $0xFFFFD800  }
0x101: {  	[hbm4b:s25+s4] =	stream.linear.scatter [tilespmem:s0], [sflag:$0xA], $0x2800, $0x38;
	[tilespmem:$0x1EB00] =	vst v63  }
0x102: {  	_ =	swait.ge [sflag:s3], $0x2800  }
0x103: {  	[sflag:s3] =	ssyncset.done $0x0  }
0x104: {  	s29 =	rddreg [dreg:$0x17];
	[sflag:s3] =	ssyncadd.s32 $0xFFFFD800  }
0x105: {  	[tilespmem:s0], [sflag:$0xA] =	stream.linear.gather [spmem:s29], $0x2800, $0x38;
	[tilespmem:$0x1EB00] =	vst v63  }
0x106: {  	_ =	swait.ge [sflag:s3], $0x2800  }
0x107: {  	[sflag:s3] =	ssyncset.done $0x0  }
0x108: {  	s28 =	smov.u32 s31;
	s31 =	rddreg [dreg:$0x9];
	[sflag:s3] =	ssyncadd.s32 $0xFFFFD800  }
0x109: {  	[hbm4b:s31+s4] =	stream.linear.scatter [tilespmem:s0], [sflag:$0xA], $0x2800, $0x38;
	[tilespmem:$0x1EB00] =	vst v63  }
0x10a: {  	_ =	swait.ge [sflag:s3], $0x2800  }
0x10b: {  	[sflag:s3] =	ssyncset.done $0x0  }
0x10c: {  	s30 =	rddreg [dreg:$0x18];
	[sflag:s3] =	ssyncadd.s32 $0xFFFFD800  }
0x10d: {  	[tilespmem:s0], [sflag:$0xA] =	stream.linear.gather [spmem:s30], $0x2800, $0x38;
	[tilespmem:$0x1EB00] =	vst v63  }
0x10e: {  	_ =	swait.ge [sflag:s3], $0x2800  }
0x10f: {  	[sflag:s3] =	ssyncset.done $0x0  }
0x110: {  	s26 =	rddreg [dreg:$0xa];
	[sflag:s3] =	ssyncadd.s32 $0xFFFFD800  }
0x111: {  	[hbm4b:s26+s4] =	stream.linear.scatter [tilespmem:s0], [sflag:$0xA], $0x2800, $0x38;
	[tilespmem:$0x1EB00] =	vst v63  }
0x112: {  	_ =	swait.ge [sflag:s3], $0x2800  }
0x113: {  	[sflag:s3] =	ssyncset.done $0x0  }
0x114: {  	s31 =	rddreg [dreg:$0x19];
	[sflag:s3] =	ssyncadd.s32 $0xFFFFD800  }
0x115: {  	[tilespmem:s0], [sflag:$0xA] =	stream.linear.gather [spmem:s31], $0x2800, $0x38;
	[tilespmem:$0x1EB00] =	vst v63  }
0x116: {  	_ =	swait.ge [sflag:s3], $0x2800  }
0x117: {  	[sflag:s3] =	ssyncset.done $0x0  }
0x118: {  	s26 =	rddreg [dreg:$0xb];
	[sflag:s3] =	ssyncadd.s32 $0xFFFFD800  }
0x119: {  	[hbm4b:s26+s4] =	stream.linear.scatter [tilespmem:s0], [sflag:$0xA], $0x2800, $0x38;
	[tilespmem:$0x1EB00] =	vst v63  }
0x11a: {  	_ =	swait.ge [sflag:s3], $0x2800  }
0x11b: {  	[sflag:s3] =	ssyncset.done $0x0  }
0x11c: {  	s31 =	rddreg [dreg:$0x1a];
	[sflag:s3] =	ssyncadd.s32 $0xFFFFD800  }
0x11d: {  	[tilespmem:s0], [sflag:$0xA] =	stream.linear.gather [spmem:s31], $0x2800, $0x38;
	[tilespmem:$0x1EB00] =	vst v63  }
0x11e: {  	_ =	swait.ge [sflag:s3], $0x2800  }
0x11f: {  	[sflag:s3] =	ssyncset.done $0x0  }
0x120: {  	s26 =	rddreg [dreg:$0xc];
	[sflag:s3] =	ssyncadd.s32 $0xFFFFD800  }
0x121: {  	[hbm4b:s26+s4] =	stream.linear.scatter [tilespmem:s0], [sflag:$0xA], $0x2800, $0x38;
	[tilespmem:$0x1EB00] =	vst v63  }
0x122: {  	_ =	swait.ge [sflag:s3], $0x2800  }
0x123: {  	[sflag:s3] =	ssyncset.done $0x0  }
0x124: {  	s31 =	rddreg [dreg:$0x1b];
	[sflag:s3] =	ssyncadd.s32 $0xFFFFD800  }
0x125: {  	[tilespmem:s0], [sflag:$0xA] =	stream.linear.gather [spmem:s31], $0x2800, $0x38;
	[tilespmem:$0x1EB00] =	vst v63  }
0x126: {  	_ =	swait.ge [sflag:s3], $0x2800  }
0x127: {  	[sflag:s3] =	ssyncset.done $0x0  }
0x128: {  	s26 =	rddreg [dreg:$0xd];
	[sflag:s3] =	ssyncadd.s32 $0xFFFFD800  }
0x129: {  	[hbm4b:s26+s4] =	stream.linear.scatter [tilespmem:s0], [sflag:$0xA], $0x2800, $0x38;
	[tilespmem:$0x1EB00] =	vst v63  }
0x12a: {  	_ =	swait.ge [sflag:s3], $0x2800  }
0x12b: {  	[sflag:s3] =	ssyncset.done $0x0  }
0x12c: {  	s31 =	rddreg [dreg:$0x1c];
	[sflag:s3] =	ssyncadd.s32 $0xFFFFD800  }
0x12d: {  	[tilespmem:s0], [sflag:$0xA] =	stream.linear.gather [spmem:s31], $0x2800, $0x38;
	[tilespmem:$0x1EB00] =	vst v63  }
0x12e: {  	_ =	swait.ge [sflag:s3], $0x2800  }
0x12f: {  	[sflag:s3] =	ssyncset.done $0x0  }
0x130: {  	s26 =	rddreg [dreg:$0xe];
	[sflag:s3] =	ssyncadd.s32 $0xFFFFD800  }
0x131: {  	[hbm4b:s26+s4] =	stream.linear.scatter [tilespmem:s0], [sflag:$0xA], $0x2800, $0x38;
	[tilespmem:$0x1EB00] =	vst v63  }
0x132: {  	_ =	swait.ge [sflag:s3], $0x2800  }
0x133: {  	[sflag:s3] =	ssyncset.done $0x0  }
0x134: {  	s31 =	rddreg [dreg:$0x1d];
	[sflag:s3] =	ssyncadd.s32 $0xFFFFD800  }
0x135: {  	[tilespmem:s0], [sflag:$0xA] =	stream.linear.gather [spmem:s31], $0x2800, $0x38;
	[tilespmem:$0x1EB00] =	vst v63  }
0x136: {  	_ =	swait.ge [sflag:s3], $0x2800  }
0x137: {  	[sflag:s3] =	ssyncset.done $0x0  }
0x138: {  	s26 =	rddreg [dreg:$0xf];
	[sflag:s3] =	ssyncadd.s32 $0xFFFFD800  }
0x139: {  	[hbm4b:s26+s4] =	stream.linear.scatter [tilespmem:s0], [sflag:$0xA], $0x2800, $0x38;
	[tilespmem:$0x1EB00] =	vst v63  }
0x13a: {  	_ =	swait.ge [sflag:s3], $0x2800  }
0x13b: {  	s24 =	sadd.s32 $0x1, s24;
	s31 =	rddreg [dreg:$0x16]  }
0x13c: {  	p0 =	sne.s32 s24, s31  }
.Ltmp2:
0x13d: {  	_ = 	snop;
	(pc) =	sbr.rel @p0 .LBB2_1-.Ltmp2, $3  }
0x13e: {  	_ =	sdelay $0x1  }
0x13f: {  	[sflag:s3] =	ssyncset.done $0x0  }
0x140: {  	[sflag:s3] =	ssyncadd.s32 $0xFFFFD800  }
0x141: {  	_ =	sfence.sel $0x180000  }
0x142: {  	[bflag:$0x0] =	sbarrier.arrive $0xFFFF  }
0x143: {  	_ =	strace $0x9000004A  }
0x144: {  	s0 =	stileid.u32;
	[bflag:$0x2] =	sbarrier.arrive $0xFFFF  }
0x145: {  	p0 =	sne.s32 s0, $0x0;
	s0 =	rddreg [dreg:$0x3]  }
0x146: {  	s0 =	sadd.s32 @!p0 $0x100000, s0  }
0x147: {  	[sflag:s0] =	ssyncadd.tile.s32 @!p0 $0x1;
	_ =	shalt  }
.Lfunc_end2:
_tile_overlayer_lowered:
.L_overlay_start_2:
0x148: {  	(tag) =	ssettag $0x2  }
0x149: {  	s0 =	rddreg [dreg:$0x0];
	s2 =	stileid.u32  }
0x14a: {  	s1 =	rddreg [dreg:$0x1];
	p0 =	sne.s32 s2, $0x0  }
0x14b: {  	s3 =	rddreg [dreg:$0x2];
	[bflag:$0x3] =	sbarrier.arrive $0xFFFF;
	s2 =	simm.s32 @!p0 $0x1C0A  }
0x14c: {  	[timem:s3], [sflag:s2] =	dma.local @!p0 [hbm:s0], s1  }
0x14d: {  	s0 =	simm.s32 @!p0 $0xA  }
0x14e: {  	_ =	swait.ge @!p0 [sflag:s0], s1  }
0x14f: {  	s1 =	ssub.s32 @!p0 $0x0, s1;
	[sflag:s0] =	ssyncset.done @!p0 $0x0  }
0x150: {  	[sflag:s0] =	ssyncadd.s32 @!p0 s1  }
0x151: {  	[bflag:$0x3] =	sbarrier.arrive $0xFFFF  }
0x152: {  	_ =	shalt  }

</sc_bundles>
